<compile_context>
chip_gen: v7x
topology: tpu7x:2x2x1
jax: 0.10.2.dev20260603
libtpu: 0.0.44.dev20260713+nightly
codegen_flags: <defaults>
</compile_context>

<pallas_src>
import dataclasses
import functools

import jax
import jax.numpy as jnp
import numpy as np
from jax import lax
from jax.experimental import pallas as pl
from jax.experimental.pallas import tpu as pltpu
from jax.experimental.pallas import tpu_sc as plsc

_N = 10000
_D = 128
_E = 320000

_NC = 2
_NS = 16
_CHUNK = 96
_CPT = 210
_ROWS = _NS * _CPT
_EPAD = _ROWS * _CHUNK
_NH = _N // 2
_NACC = _NH + 8
_XROWS = _N // 2
_XSH = 312
_XLAST = _XROWS - 15 * _XSH
_ASH = 312
_ALAST = _NH - 15 * _ASH
_ZLAST = _NACC - 15 * _ASH

_PERM = np.empty((_D,), dtype=np.int32)
for _g in range(_D // 32):
    for _i in range(16):
        _PERM[32 * _g + 2 * _i] = 32 * _g + _i
        _PERM[32 * _g + 2 * _i + 1] = 32 * _g + 16 + _i


def _sc_body(x_hbm, packed_hbm, zeros_hbm, out_hbm,
             idx0_v, idx1_v, sidx0_v, sidx1_v,
             rows0_v, rows1_v, prod0_v, prod1_v,
             x_shared, acc_shared,
             gsem0, gsem1, ssem0, ssem1, isem0, isem1):
    c = lax.axis_index("c")
    s = lax.axis_index("s")

    idx = (idx0_v, idx1_v)
    sidx = (sidx0_v, sidx1_v)
    rows = (rows0_v, rows1_v)
    prod = (prod0_v, prod1_v)
    gsem = (gsem0, gsem1)
    ssem = (ssem0, ssem1)
    isem = (isem0, isem1)

    @pl.when(s < 15)
    def _():
        pltpu.sync_copy(x_hbm.at[pl.ds(s * _XSH, _XSH)],
                        x_shared.at[pl.ds(s * _XSH, _XSH)])
        pltpu.sync_copy(zeros_hbm.at[pl.ds(s * _ASH, _ASH)],
                        acc_shared.at[pl.ds(s * _ASH, _ASH)])

    @pl.when(s == 15)
    def _():
        pltpu.sync_copy(x_hbm.at[pl.ds(15 * _XSH, _XLAST)],
                        x_shared.at[pl.ds(15 * _XSH, _XLAST)])
        pltpu.sync_copy(zeros_hbm.at[pl.ds(15 * _ASH, _ZLAST)],
                        acc_shared.at[pl.ds(15 * _ASH, _ZLAST)])

    plsc.subcore_barrier()

    base = s * _CPT
    drow = 1 + c

    pltpu.sync_copy(packed_hbm.at[base], idx0_v)
    pltpu.sync_copy(packed_hbm.at[base + 1], idx1_v)
    pltpu.async_copy(x_shared.at[idx0_v.at[0]], rows0_v, gsem0)
    pltpu.async_copy(x_shared.at[idx1_v.at[0]], rows1_v, gsem1)

    three = jnp.broadcast_to(3, (16,)).astype(jnp.int32)
    one = jnp.broadcast_to(1, (16,)).astype(jnp.int32)
    ii = lax.broadcasted_iota(jnp.int32, (16,), 0)
    iig = [ii + 16 * g for g in range(_D // 32)]

    @pl.loop(0, _CPT, step=2)
    def _pair(j):
        for b in range(2):
            ci = j + b
            pltpu.make_async_copy(zeros_hbm.at[pl.ds(0, _CHUNK)],
                                  rows[b], gsem[b]).wait()
            @pl.when(ci >= 2)
            def _():
                pltpu.make_async_copy(zeros_hbm.at[pl.ds(0, _CHUNK)],
                                      prod[b], ssem[b]).wait()

            @plsc.parallel_loop(0, _CHUNK, 1, unroll=4)
            def _edge(e):
                eidx = jnp.broadcast_to(e, (16,)).astype(jnp.int32)
                wraw = plsc.load_gather(idx[b], [three, eidx])
                wv = plsc.bitcast(wraw & ~one, jnp.float32)
                off = (wraw & one) << 6
                for g in range(_D // 32):
                    words = plsc.load_gather(rows[b], [eidx, iig[g] + off])
                    ab = plsc.bitcast(words, jnp.bfloat16)
                    lo, hi = plsc.unpack(ab,
                                         format=plsc.PackFormat.INTERLEAVED)
                    prod[b][e, pl.ds(32 * g, 16)] = lo * wv
                    prod[b][e, pl.ds(32 * g + 16, 16)] = hi * wv

            @pl.loop(0, _CHUNK, step=16)
            def _cp(k):
                sidx[b][0, pl.ds(k, 16)] = idx[b][drow, pl.ds(k, 16)]

            pltpu.async_copy(prod[b], acc_shared.at[sidx[b].at[0]],
                             ssem[b], add=True)

            @pl.when(ci + 2 < _CPT)
            def _():
                pltpu.async_copy(packed_hbm.at[base + ci + 2], idx[b],
                                 isem[b])
                pltpu.make_async_copy(packed_hbm.at[base], idx[b],
                                      isem[b]).wait()
                pltpu.async_copy(x_shared.at[idx[b].at[0]], rows[b], gsem[b])

    for b in range(2):
        pltpu.make_async_copy(zeros_hbm.at[pl.ds(0, _CHUNK)],
                              prod[b], ssem[b]).wait()

    plsc.subcore_barrier()
    @pl.when(s < 15)
    def _():
        pltpu.sync_copy(acc_shared.at[pl.ds(s * _ASH, _ASH)],
                        out_hbm.at[pl.ds(c * _NH + s * _ASH, _ASH)])

    @pl.when(s == 15)
    def _():
        pltpu.sync_copy(acc_shared.at[pl.ds(15 * _ASH, _ALAST)],
                        out_hbm.at[pl.ds(c * _NH + 15 * _ASH, _ALAST)])


def _make_sc_call():
    mesh = plsc.VectorSubcoreMesh(core_axis_name="c", subcore_axis_name="s")
    cp = pltpu.CompilerParams()
    if "needs_layout_passes" in pltpu.CompilerParams.__dataclass_fields__:
        cp = dataclasses.replace(cp, needs_layout_passes=False)
    sems = [pltpu.SemaphoreType.DMA] * 6
    return pl.kernel(
        _sc_body,
        out_type=jax.ShapeDtypeStruct((_N, _D), jnp.float32),
        mesh=mesh,
        scratch_types=[
            pltpu.VMEM((4, _CHUNK), jnp.int32),
            pltpu.VMEM((4, _CHUNK), jnp.int32),
            pltpu.VMEM((1, _CHUNK), jnp.int32),
            pltpu.VMEM((1, _CHUNK), jnp.int32),
            pltpu.VMEM((_CHUNK, _D), jnp.int32),
            pltpu.VMEM((_CHUNK, _D), jnp.int32),
            pltpu.VMEM((_CHUNK, _D), jnp.float32),
            pltpu.VMEM((_CHUNK, _D), jnp.float32),
            pltpu.VMEM_SHARED((_XROWS, _D), jnp.int32),
            pltpu.VMEM_SHARED((_NACC, _D), jnp.float32),
        ] + sems,
        compiler_params=cp,
    )


def kernel(x, edge_index, edge_weight):
    src = edge_index[0].astype(jnp.int32)
    dst = edge_index[1].astype(jnp.int32)
    w = edge_weight.astype(jnp.float32)
    pad = _EPAD - _E
    src = jnp.concatenate([src, jnp.zeros((pad,), jnp.int32)]).reshape(_ROWS, _CHUNK)
    dst = jnp.concatenate([dst, jnp.zeros((pad,), jnp.int32)]).reshape(_ROWS, _CHUNK)
    w = jnp.concatenate([w, jnp.zeros((pad,), jnp.float32)]).reshape(_ROWS, _CHUNK)
    wbits = lax.bitcast_convert_type(w, jnp.int32)
    trash = _NH + (jnp.arange(_EPAD, dtype=jnp.int32).reshape(_ROWS, _CHUNK) % 8)
    dloc0 = jnp.where(dst < _NH, dst, trash)
    dloc1 = jnp.where(dst >= _NH, dst - _NH, trash)
    srcrow = src >> 1
    wbits = (wbits & ~jnp.int32(1)) | (src & 1)
    packed = jnp.stack([srcrow, dloc0, dloc1, wbits], axis=1)
    xs = lax.bitcast_convert_type(
        x[:, jnp.asarray(_PERM)].astype(jnp.bfloat16).reshape(_N, _D // 2, 2),
        jnp.int32).reshape(_XROWS, _D)
    zeros = jnp.zeros((_NACC, _D), jnp.float32)
    return _make_sc_call()(xs, packed, zeros)

# --- scband reference (transcript-rebuilt; emitter-appended) ---
"""Pipeline reference for scband-weighted-sum-convolution-15599321219335 (READ-ONLY COPY).

The authoritative reference and input builder live on the scoring server;
editing this copy changes nothing except your own understanding.
"""

import jax, jax.numpy as jnp
import numpy as np

N_NODES = 10000
N_EDGES = 320000
D_FEAT = 128

def setup_inputs(seed: int = 0) -> dict:
    key = jax.random.key(seed)
    k1, k2, k3 = jax.random.split(key, 3)
    x = jax.random.normal(k1, (N_NODES, D_FEAT), dtype=jnp.float32)
    edge_index = jax.random.randint(k2, (2, N_EDGES), 0, N_NODES, dtype=jnp.int64)
    edge_weight = jax.random.uniform(k3, (N_EDGES,), dtype=jnp.float32)
    return {"x": x, "edge_index": edge_index, "edge_weight": edge_weight}

def reference(x, edge_index, edge_weight):
    # broadcast_node_to_edges(SOURCE): gather source node states per edge
    src = edge_index[0]
    dst = edge_index[1]
    messages = jnp.take(x, src, axis=0)  # [E, d]
    # weight each message by the scalar edge weight
    weighted_messages = jnp.expand_dims(edge_weight, -1) * messages  # [E, d]
    # pool_edges_to_node(TARGET, 'sum'): scatter-add into target nodes
    pooled_messages = jax.ops.segment_sum(weighted_messages, dst, num_segments=N_NODES)
    return pooled_messages

if __name__ == "__main__":
    import jax
    _d = setup_inputs()
    print(jax.jit(kernel)(*tuple(_d.values())))

</pallas_src>

<mosaic_0001>
#map = affine_map<(d0, d1) -> (0, 0)>
#map1 = affine_map<(d0, d1) -> (0, 0, 0)>
module attributes {stable_mosaic.version = 14 : i64} {
  func.func @_sc_body(%arg0: i32, %arg1: i32, %arg2: memref<5000x128xi32, #tpu.memory_space<hbm>>, %arg3: memref<3360x4x96xi32, #tpu.memory_space<hbm>>, %arg4: memref<5008x128xf32, #tpu.memory_space<hbm>>, %arg5: memref<10000x128xf32, #tpu.memory_space<hbm>>, %arg6: memref<4x96xi32, #tpu.memory_space<vmem>>, %arg7: memref<4x96xi32, #tpu.memory_space<vmem>>, %arg8: memref<1x96xi32, #tpu.memory_space<vmem>>, %arg9: memref<1x96xi32, #tpu.memory_space<vmem>>, %arg10: memref<96x128xi32, #tpu.memory_space<vmem>>, %arg11: memref<96x128xi32, #tpu.memory_space<vmem>>, %arg12: memref<96x128xf32, #tpu.memory_space<vmem>>, %arg13: memref<96x128xf32, #tpu.memory_space<vmem>>, %arg14: memref<5000x128xi32, #tpu.memory_space<vmem_shared>>, %arg15: memref<5008x128xf32, #tpu.memory_space<vmem_shared>>, %arg16: memref<!tpu.dma_semaphore, #tpu.memory_space<semaphore_mem>>, %arg17: memref<!tpu.dma_semaphore, #tpu.memory_space<semaphore_mem>>, %arg18: memref<!tpu.dma_semaphore, #tpu.memory_space<semaphore_mem>>, %arg19: memref<!tpu.dma_semaphore, #tpu.memory_space<semaphore_mem>>, %arg20: memref<!tpu.dma_semaphore, #tpu.memory_space<semaphore_mem>>, %arg21: memref<!tpu.dma_semaphore, #tpu.memory_space<semaphore_mem>>) attributes {dimension_semantics = [#tpu.dimension_semantics<core_parallel>, #tpu.dimension_semantics<subcore_parallel>], iteration_bounds = array<i64: 2, 16>, scalar_prefetch = 0 : i64, scratch_operands = 16 : i64, tpu.core_type = #tpu.core_type<sc_vector_subcore>, window_params = [{transform_indices = #map}, {transform_indices = #map1}, {transform_indices = #map}, {transform_indices = #map}]} {
    %lt3A = arith.constant 15 : i32
    %lt3A_0 = arith.cmpi slt, %arg1, %lt3A : i32
    %convert_element_type3A = arith.extui %lt3A_0 : i1 to i32
    %cond3A = arith.constant 0 : i32
    %cond3A_1 = arith.cmpi ne, %convert_element_type3A, %cond3A : i32
    scf.if %cond3A_1 {
      %mul3A_64 = arith.constant 312 : i32
      %mul3A_65 = arith.muli %arg1, %mul3A_64 : i32
      %mul3A_66 = arith.constant 312 : i32
      %mul3A_67 = arith.muli %arg1, %mul3A_66 : i32
      "tpu.region"() ({
        %run_scoped3A = tpu.sem_alloc : memref<!tpu.dma_semaphore, #tpu.memory_space<semaphore_mem>>
        %dma_start3A_72 = arith.constant 0 : i32
        %dma_start3A_73 = tpu.memref_slice %arg14[%mul3A_67, %dma_start3A_72] : memref<5000x128xi32, #tpu.memory_space<vmem_shared>> -> memref<312x128xi32, #tpu.memory_space<vmem_shared>>
        %dma_start3A_74 = arith.constant 0 : i32
        %dma_start3A_75 = tpu.memref_slice %arg2[%mul3A_65, %dma_start3A_74] : memref<5000x128xi32, #tpu.memory_space<hbm>> -> memref<312x128xi32, #tpu.memory_space<hbm>>
        tpu.enqueue_dma source(%dma_start3A_75 : memref<312x128xi32, #tpu.memory_space<hbm>>) target(%dma_start3A_73 : memref<312x128xi32, #tpu.memory_space<vmem_shared>>) target_semaphore(%run_scoped3A : memref<!tpu.dma_semaphore, #tpu.memory_space<semaphore_mem>>)
        %dma_wait3A_76 = arith.constant 0 : i32
        %dma_wait3A_77 = tpu.memref_slice %arg14[%mul3A_67, %dma_wait3A_76] : memref<5000x128xi32, #tpu.memory_space<vmem_shared>> -> memref<312x128xi32, #tpu.memory_space<vmem_shared>>
        %dma_wait3A_78 = arith.constant 0 : i32
        %dma_wait3A_79 = tpu.memref_slice %arg2[%mul3A_65, %dma_wait3A_78] : memref<5000x128xi32, #tpu.memory_space<hbm>> -> memref<312x128xi32, #tpu.memory_space<hbm>>
        tpu.wait_dma2 semaphore(%run_scoped3A : memref<!tpu.dma_semaphore, #tpu.memory_space<semaphore_mem>>) src(%dma_wait3A_79 : memref<312x128xi32, #tpu.memory_space<hbm>>) dst(%dma_wait3A_77 : memref<312x128xi32, #tpu.memory_space<vmem_shared>>)
        tpu.yield
      }) : () -> ()
      %mul3A_68 = arith.constant 312 : i32
      %mul3A_69 = arith.muli %arg1, %mul3A_68 : i32
      %mul3A_70 = arith.constant 312 : i32
      %mul3A_71 = arith.muli %arg1, %mul3A_70 : i32
      "tpu.region"() ({
        %run_scoped3A = tpu.sem_alloc : memref<!tpu.dma_semaphore, #tpu.memory_space<semaphore_mem>>
        %dma_start3A_72 = arith.constant 0 : i32
        %dma_start3A_73 = tpu.memref_slice %arg15[%mul3A_71, %dma_start3A_72] : memref<5008x128xf32, #tpu.memory_space<vmem_shared>> -> memref<312x128xf32, #tpu.memory_space<vmem_shared>>
        %dma_start3A_74 = arith.constant 0 : i32
        %dma_start3A_75 = tpu.memref_slice %arg4[%mul3A_69, %dma_start3A_74] : memref<5008x128xf32, #tpu.memory_space<hbm>> -> memref<312x128xf32, #tpu.memory_space<hbm>>
        tpu.enqueue_dma source(%dma_start3A_75 : memref<312x128xf32, #tpu.memory_space<hbm>>) target(%dma_start3A_73 : memref<312x128xf32, #tpu.memory_space<vmem_shared>>) target_semaphore(%run_scoped3A : memref<!tpu.dma_semaphore, #tpu.memory_space<semaphore_mem>>)
        %dma_wait3A_76 = arith.constant 0 : i32
        %dma_wait3A_77 = tpu.memref_slice %arg15[%mul3A_71, %dma_wait3A_76] : memref<5008x128xf32, #tpu.memory_space<vmem_shared>> -> memref<312x128xf32, #tpu.memory_space<vmem_shared>>
        %dma_wait3A_78 = arith.constant 0 : i32
        %dma_wait3A_79 = tpu.memref_slice %arg4[%mul3A_69, %dma_wait3A_78] : memref<5008x128xf32, #tpu.memory_space<hbm>> -> memref<312x128xf32, #tpu.memory_space<hbm>>
        tpu.wait_dma2 semaphore(%run_scoped3A : memref<!tpu.dma_semaphore, #tpu.memory_space<semaphore_mem>>) src(%dma_wait3A_79 : memref<312x128xf32, #tpu.memory_space<hbm>>) dst(%dma_wait3A_77 : memref<312x128xf32, #tpu.memory_space<vmem_shared>>)
        tpu.yield
      }) : () -> ()
    } else {
    }
    %eq3A = arith.constant 15 : i32
    %eq3A_2 = arith.cmpi eq, %arg1, %eq3A : i32
    %convert_element_type3A_3 = arith.extui %eq3A_2 : i1 to i32
    %cond3A_4 = arith.constant 0 : i32
    %cond3A_5 = arith.cmpi ne, %convert_element_type3A_3, %cond3A_4 : i32
    scf.if %cond3A_5 {
      "tpu.region"() ({
        %run_scoped3A = tpu.sem_alloc : memref<!tpu.dma_semaphore, #tpu.memory_space<semaphore_mem>>
        %dma_start3A_64 = arith.constant 4680 : i32
        %dma_start3A_65 = arith.constant 0 : i32
        %dma_start3A_66 = tpu.memref_slice %arg14[%dma_start3A_64, %dma_start3A_65] : memref<5000x128xi32, #tpu.memory_space<vmem_shared>> -> memref<320x128xi32, #tpu.memory_space<vmem_shared>>
        %dma_start3A_67 = arith.constant 4680 : i32
        %dma_start3A_68 = arith.constant 0 : i32
        %dma_start3A_69 = tpu.memref_slice %arg2[%dma_start3A_67, %dma_start3A_68] : memref<5000x128xi32, #tpu.memory_space<hbm>> -> memref<320x128xi32, #tpu.memory_space<hbm>>
        tpu.enqueue_dma source(%dma_start3A_69 : memref<320x128xi32, #tpu.memory_space<hbm>>) target(%dma_start3A_66 : memref<320x128xi32, #tpu.memory_space<vmem_shared>>) target_semaphore(%run_scoped3A : memref<!tpu.dma_semaphore, #tpu.memory_space<semaphore_mem>>)
        %dma_wait3A_70 = arith.constant 4680 : i32
        %dma_wait3A_71 = arith.constant 0 : i32
        %dma_wait3A_72 = tpu.memref_slice %arg14[%dma_wait3A_70, %dma_wait3A_71] : memref<5000x128xi32, #tpu.memory_space<vmem_shared>> -> memref<320x128xi32, #tpu.memory_space<vmem_shared>>
        %dma_wait3A_73 = arith.constant 4680 : i32
        %dma_wait3A_74 = arith.constant 0 : i32
        %dma_wait3A_75 = tpu.memref_slice %arg2[%dma_wait3A_73, %dma_wait3A_74] : memref<5000x128xi32, #tpu.memory_space<hbm>> -> memref<320x128xi32, #tpu.memory_space<hbm>>
        tpu.wait_dma2 semaphore(%run_scoped3A : memref<!tpu.dma_semaphore, #tpu.memory_space<semaphore_mem>>) src(%dma_wait3A_75 : memref<320x128xi32, #tpu.memory_space<hbm>>) dst(%dma_wait3A_72 : memref<320x128xi32, #tpu.memory_space<vmem_shared>>)
        tpu.yield
      }) : () -> ()
      "tpu.region"() ({
        %run_scoped3A = tpu.sem_alloc : memref<!tpu.dma_semaphore, #tpu.memory_space<semaphore_mem>>
        %dma_start3A_64 = arith.constant 4680 : i32
        %dma_start3A_65 = arith.constant 0 : i32
        %dma_start3A_66 = tpu.memref_slice %arg15[%dma_start3A_64, %dma_start3A_65] : memref<5008x128xf32, #tpu.memory_space<vmem_shared>> -> memref<328x128xf32, #tpu.memory_space<vmem_shared>>
        %dma_start3A_67 = arith.constant 4680 : i32
        %dma_start3A_68 = arith.constant 0 : i32
        %dma_start3A_69 = tpu.memref_slice %arg4[%dma_start3A_67, %dma_start3A_68] : memref<5008x128xf32, #tpu.memory_space<hbm>> -> memref<328x128xf32, #tpu.memory_space<hbm>>
        tpu.enqueue_dma source(%dma_start3A_69 : memref<328x128xf32, #tpu.memory_space<hbm>>) target(%dma_start3A_66 : memref<328x128xf32, #tpu.memory_space<vmem_shared>>) target_semaphore(%run_scoped3A : memref<!tpu.dma_semaphore, #tpu.memory_space<semaphore_mem>>)
        %dma_wait3A_70 = arith.constant 4680 : i32
        %dma_wait3A_71 = arith.constant 0 : i32
        %dma_wait3A_72 = tpu.memref_slice %arg15[%dma_wait3A_70, %dma_wait3A_71] : memref<5008x128xf32, #tpu.memory_space<vmem_shared>> -> memref<328x128xf32, #tpu.memory_space<vmem_shared>>
        %dma_wait3A_73 = arith.constant 4680 : i32
        %dma_wait3A_74 = arith.constant 0 : i32
        %dma_wait3A_75 = tpu.memref_slice %arg4[%dma_wait3A_73, %dma_wait3A_74] : memref<5008x128xf32, #tpu.memory_space<hbm>> -> memref<328x128xf32, #tpu.memory_space<hbm>>
        tpu.wait_dma2 semaphore(%run_scoped3A : memref<!tpu.dma_semaphore, #tpu.memory_space<semaphore_mem>>) src(%dma_wait3A_75 : memref<328x128xf32, #tpu.memory_space<hbm>>) dst(%dma_wait3A_72 : memref<328x128xf32, #tpu.memory_space<vmem_shared>>)
        tpu.yield
      }) : () -> ()
    } else {
    }
    %barrier3A = arith.constant 0 : index
    tpu.barrier barrier_id(%barrier3A)
    %mul3A = arith.constant 210 : i32
    %mul3A_6 = arith.muli %arg1, %mul3A : i32
    %add3A = arith.constant 1 : i32
    %add3A_7 = arith.addi %add3A, %arg0 : i32
    "tpu.region"() ({
      %run_scoped3A = tpu.sem_alloc : memref<!tpu.dma_semaphore, #tpu.memory_space<semaphore_mem>>
      %dma_start3A_64 = arith.constant 0 : i32
      %dma_start3A_65 = arith.constant 0 : i32
      %dma_start3A_66 = tpu.memref_slice %arg3[%mul3A_6, %dma_start3A_64, %dma_start3A_65] : memref<3360x4x96xi32, #tpu.memory_space<hbm>> -> memref<1x4x96xi32, #tpu.memory_space<hbm>>
      %dma_start3A_67 = tpu.memref_squeeze %dma_start3A_66 : memref<1x4x96xi32, #tpu.memory_space<hbm>> -> memref<4x96xi32, #tpu.memory_space<hbm>>
      %dma_start3A_68 = arith.constant 0 : i32
      %dma_start3A_69 = arith.constant 0 : i32
      %dma_start3A_70 = tpu.memref_slice %arg3[%mul3A_6, %dma_start3A_68, %dma_start3A_69] : memref<3360x4x96xi32, #tpu.memory_space<hbm>> -> memref<1x4x96xi32, #tpu.memory_space<hbm>>
      %dma_start3A_71 = tpu.memref_squeeze %dma_start3A_70 : memref<1x4x96xi32, #tpu.memory_space<hbm>> -> memref<4x96xi32, #tpu.memory_space<hbm>>
      tpu.enqueue_dma source(%dma_start3A_71 : memref<4x96xi32, #tpu.memory_space<hbm>>) target(%arg6 : memref<4x96xi32, #tpu.memory_space<vmem>>) target_semaphore(%run_scoped3A : memref<!tpu.dma_semaphore, #tpu.memory_space<semaphore_mem>>)
      %dma_wait3A_72 = arith.constant 0 : i32
      %dma_wait3A_73 = arith.constant 0 : i32
      %dma_wait3A_74 = tpu.memref_slice %arg3[%mul3A_6, %dma_wait3A_72, %dma_wait3A_73] : memref<3360x4x96xi32, #tpu.memory_space<hbm>> -> memref<1x4x96xi32, #tpu.memory_space<hbm>>
      %dma_wait3A_75 = tpu.memref_squeeze %dma_wait3A_74 : memref<1x4x96xi32, #tpu.memory_space<hbm>> -> memref<4x96xi32, #tpu.memory_space<hbm>>
      %dma_wait3A_76 = arith.constant 0 : i32
      %dma_wait3A_77 = arith.constant 0 : i32
      %dma_wait3A_78 = tpu.memref_slice %arg3[%mul3A_6, %dma_wait3A_76, %dma_wait3A_77] : memref<3360x4x96xi32, #tpu.memory_space<hbm>> -> memref<1x4x96xi32, #tpu.memory_space<hbm>>
      %dma_wait3A_79 = tpu.memref_squeeze %dma_wait3A_78 : memref<1x4x96xi32, #tpu.memory_space<hbm>> -> memref<4x96xi32, #tpu.memory_space<hbm>>
      tpu.wait_dma2 semaphore(%run_scoped3A : memref<!tpu.dma_semaphore, #tpu.memory_space<semaphore_mem>>) src(%dma_wait3A_79 : memref<4x96xi32, #tpu.memory_space<hbm>>) dst(%arg6 : memref<4x96xi32, #tpu.memory_space<vmem>>)
      tpu.yield
    }) : () -> ()
    %add3A_8 = arith.constant 1 : i32
    %add3A_9 = arith.addi %mul3A_6, %add3A_8 : i32
    "tpu.region"() ({
      %run_scoped3A = tpu.sem_alloc : memref<!tpu.dma_semaphore, #tpu.memory_space<semaphore_mem>>
      %dma_start3A_64 = arith.constant 0 : i32
      %dma_start3A_65 = arith.constant 0 : i32
      %dma_start3A_66 = tpu.memref_slice %arg3[%add3A_9, %dma_start3A_64, %dma_start3A_65] : memref<3360x4x96xi32, #tpu.memory_space<hbm>> -> memref<1x4x96xi32, #tpu.memory_space<hbm>>
      %dma_start3A_67 = tpu.memref_squeeze %dma_start3A_66 : memref<1x4x96xi32, #tpu.memory_space<hbm>> -> memref<4x96xi32, #tpu.memory_space<hbm>>
      %dma_start3A_68 = arith.constant 0 : i32
      %dma_start3A_69 = arith.constant 0 : i32
      %dma_start3A_70 = tpu.memref_slice %arg3[%add3A_9, %dma_start3A_68, %dma_start3A_69] : memref<3360x4x96xi32, #tpu.memory_space<hbm>> -> memref<1x4x96xi32, #tpu.memory_space<hbm>>
      %dma_start3A_71 = tpu.memref_squeeze %dma_start3A_70 : memref<1x4x96xi32, #tpu.memory_space<hbm>> -> memref<4x96xi32, #tpu.memory_space<hbm>>
      tpu.enqueue_dma source(%dma_start3A_71 : memref<4x96xi32, #tpu.memory_space<hbm>>) target(%arg7 : memref<4x96xi32, #tpu.memory_space<vmem>>) target_semaphore(%run_scoped3A : memref<!tpu.dma_semaphore, #tpu.memory_space<semaphore_mem>>)
      %dma_wait3A_72 = arith.constant 0 : i32
      %dma_wait3A_73 = arith.constant 0 : i32
      %dma_wait3A_74 = tpu.memref_slice %arg3[%add3A_9, %dma_wait3A_72, %dma_wait3A_73] : memref<3360x4x96xi32, #tpu.memory_space<hbm>> -> memref<1x4x96xi32, #tpu.memory_space<hbm>>
      %dma_wait3A_75 = tpu.memref_squeeze %dma_wait3A_74 : memref<1x4x96xi32, #tpu.memory_space<hbm>> -> memref<4x96xi32, #tpu.memory_space<hbm>>
      %dma_wait3A_76 = arith.constant 0 : i32
      %dma_wait3A_77 = arith.constant 0 : i32
      %dma_wait3A_78 = tpu.memref_slice %arg3[%add3A_9, %dma_wait3A_76, %dma_wait3A_77] : memref<3360x4x96xi32, #tpu.memory_space<hbm>> -> memref<1x4x96xi32, #tpu.memory_space<hbm>>
      %dma_wait3A_79 = tpu.memref_squeeze %dma_wait3A_78 : memref<1x4x96xi32, #tpu.memory_space<hbm>> -> memref<4x96xi32, #tpu.memory_space<hbm>>
      tpu.wait_dma2 semaphore(%run_scoped3A : memref<!tpu.dma_semaphore, #tpu.memory_space<semaphore_mem>>) src(%dma_wait3A_79 : memref<4x96xi32, #tpu.memory_space<hbm>>) dst(%arg7 : memref<4x96xi32, #tpu.memory_space<vmem>>)
      tpu.yield
    }) : () -> ()
    %dma_start3A = arith.constant 0 : i32
    %dma_start3A_10 = arith.constant 0 : i32
    %dma_start3A_11 = tpu.memref_slice %arg6[%dma_start3A, %dma_start3A_10] : memref<4x96xi32, #tpu.memory_space<vmem>> -> memref<1x96xi32, #tpu.memory_space<vmem>>
    %dma_start3A_12 = tpu.memref_squeeze %dma_start3A_11 : memref<1x96xi32, #tpu.memory_space<vmem>> -> memref<96xi32, #tpu.memory_space<vmem>>
    %dma_start3A_13 = arith.constant 0 : i32
    %dma_start3A_14 = arith.constant 0 : i32
    %dma_start3A_15 = tpu.memref_slice %arg14[%dma_start3A_13, %dma_start3A_14] : memref<5000x128xi32, #tpu.memory_space<vmem_shared>> -> memref<5000x128xi32, #tpu.memory_space<vmem_shared>>
    tpu.enqueue_indirect_dma source(%dma_start3A_15 : memref<5000x128xi32, #tpu.memory_space<vmem_shared>>) target(%arg10 : memref<96x128xi32, #tpu.memory_space<vmem>>) offsets(%dma_start3A_12 : memref<96xi32, #tpu.memory_space<vmem>>) semaphore(%arg16 : memref<!tpu.dma_semaphore, #tpu.memory_space<semaphore_mem>>)
    %dma_start3A_16 = arith.constant 0 : i32
    %dma_start3A_17 = arith.constant 0 : i32
    %dma_start3A_18 = tpu.memref_slice %arg7[%dma_start3A_16, %dma_start3A_17] : memref<4x96xi32, #tpu.memory_space<vmem>> -> memref<1x96xi32, #tpu.memory_space<vmem>>
    %dma_start3A_19 = tpu.memref_squeeze %dma_start3A_18 : memref<1x96xi32, #tpu.memory_space<vmem>> -> memref<96xi32, #tpu.memory_space<vmem>>
    %dma_start3A_20 = arith.constant 0 : i32
    %dma_start3A_21 = arith.constant 0 : i32
    %dma_start3A_22 = tpu.memref_slice %arg14[%dma_start3A_20, %dma_start3A_21] : memref<5000x128xi32, #tpu.memory_space<vmem_shared>> -> memref<5000x128xi32, #tpu.memory_space<vmem_shared>>
    tpu.enqueue_indirect_dma source(%dma_start3A_22 : memref<5000x128xi32, #tpu.memory_space<vmem_shared>>) target(%arg11 : memref<96x128xi32, #tpu.memory_space<vmem>>) offsets(%dma_start3A_19 : memref<96xi32, #tpu.memory_space<vmem>>) semaphore(%arg17 : memref<!tpu.dma_semaphore, #tpu.memory_space<semaphore_mem>>)
    %broadcast_in_dim3A = arith.constant 3 : i32
    %broadcast_in_dim3A_23 = vector.broadcast %broadcast_in_dim3A : i32 to vector<16xi32>
    %broadcast_in_dim3A_24 = arith.constant 1 : i32
    %broadcast_in_dim3A_25 = vector.broadcast %broadcast_in_dim3A_24 : i32 to vector<16xi32>
    %iota3A = tpu.iota {dimensions = array<i32: 0>} : vector<16xi32>
    %add3A_26 = arith.constant 0 : i32
    %add3A_27 = vector.broadcast %add3A_26 : i32 to vector<16xi32>
    %add3A_28 = arith.addi %iota3A, %add3A_27 : vector<16xi32>
    %add3A_29 = arith.constant 16 : i32
    %add3A_30 = vector.broadcast %add3A_29 : i32 to vector<16xi32>
    %add3A_31 = arith.addi %iota3A, %add3A_30 : vector<16xi32>
    %add3A_32 = arith.constant 32 : i32
    %add3A_33 = vector.broadcast %add3A_32 : i32 to vector<16xi32>
    %add3A_34 = arith.addi %iota3A, %add3A_33 : vector<16xi32>
    %add3A_35 = arith.constant 48 : i32
    %add3A_36 = vector.broadcast %add3A_35 : i32 to vector<16xi32>
    %add3A_37 = arith.addi %iota3A, %add3A_36 : vector<16xi32>
    %scan3A = arith.constant 0 : i32
    %scan3A_38 = arith.constant 105 : i32
    %scan3A_39 = arith.addi %scan3A, %scan3A_38 : i32
    %scan3A_40 = arith.constant 1 : i32
    scf.for %scan3A_64 = %scan3A to %scan3A_39 step %scan3A_40  : i32 {
      %mul3A_65 = arith.constant 2 : i32
      %mul3A_66 = arith.muli %scan3A_64, %mul3A_65 : i32
      %add3A_67 = arith.constant 0 : i32
      %add3A_68 = arith.addi %add3A_67, %mul3A_66 : i32
      %add3A_69 = arith.constant 0 : i32
      %add3A_70 = arith.addi %add3A_68, %add3A_69 : i32
      %dma_wait3A_71 = arith.constant 0 : i32
      %dma_wait3A_72 = arith.constant 0 : i32
      %dma_wait3A_73 = tpu.memref_slice %arg4[%dma_wait3A_71, %dma_wait3A_72] : memref<5008x128xf32, #tpu.memory_space<hbm>> -> memref<96x128xf32, #tpu.memory_space<hbm>>
      %dma_wait3A_74 = arith.constant 0 : i32
      %dma_wait3A_75 = arith.constant 0 : i32
      %dma_wait3A_76 = tpu.memref_slice %arg4[%dma_wait3A_74, %dma_wait3A_75] : memref<5008x128xf32, #tpu.memory_space<hbm>> -> memref<96x128xf32, #tpu.memory_space<hbm>>
      tpu.wait_dma2 semaphore(%arg16 : memref<!tpu.dma_semaphore, #tpu.memory_space<semaphore_mem>>) src(%dma_wait3A_76 : memref<96x128xf32, #tpu.memory_space<hbm>>) dst(%arg10 : memref<96x128xi32, #tpu.memory_space<vmem>>)
      %ge3A = arith.constant 2 : i32
      %ge3A_77 = arith.cmpi sge, %add3A_70, %ge3A : i32
      %convert_element_type3A_78 = arith.extui %ge3A_77 : i1 to i32
      %cond3A_79 = arith.constant 0 : i32
      %cond3A_80 = arith.cmpi ne, %convert_element_type3A_78, %cond3A_79 : i32
      scf.if %cond3A_80 {
        %dma_wait3A_137 = arith.constant 0 : i32
        %dma_wait3A_138 = arith.constant 0 : i32
        %dma_wait3A_139 = tpu.memref_slice %arg4[%dma_wait3A_137, %dma_wait3A_138] : memref<5008x128xf32, #tpu.memory_space<hbm>> -> memref<96x128xf32, #tpu.memory_space<hbm>>
        %dma_wait3A_140 = arith.constant 0 : i32
        %dma_wait3A_141 = arith.constant 0 : i32
        %dma_wait3A_142 = tpu.memref_slice %arg4[%dma_wait3A_140, %dma_wait3A_141] : memref<5008x128xf32, #tpu.memory_space<hbm>> -> memref<96x128xf32, #tpu.memory_space<hbm>>
        tpu.wait_dma2 semaphore(%arg18 : memref<!tpu.dma_semaphore, #tpu.memory_space<semaphore_mem>>) src(%dma_wait3A_142 : memref<96x128xf32, #tpu.memory_space<hbm>>) dst(%arg12 : memref<96x128xf32, #tpu.memory_space<vmem>>)
      } else {
      }
      %parallel_loop3A = arith.constant 0 : i32
      %parallel_loop3A_81 = arith.constant 96 : i32
      %parallel_loop3A_82 = arith.constant 1 : i32
      scf.for %parallel_loop3A_137 = %parallel_loop3A to %parallel_loop3A_81 step %parallel_loop3A_82  : i32 {
        %parallel_loop3A_138 = vector.broadcast %parallel_loop3A_137 : i32 to vector<16xi32>
        %parallel_loop3A_139 = tpu.vector_load_idx %arg6[%broadcast_in_dim3A_23, %parallel_loop3A_138] : memref<4x96xi32, #tpu.memory_space<vmem>>[vector<16xi32>, vector<16xi32>], vector<16xi32>,
        %parallel_loop3A_140 = arith.constant dense<-1> : vector<16xi32>
        %parallel_loop3A_141 = arith.xori %broadcast_in_dim3A_25, %parallel_loop3A_140 : vector<16xi32>
        %parallel_loop3A_142 = arith.andi %parallel_loop3A_139, %parallel_loop3A_141 : vector<16xi32>
        %parallel_loop3A_143 = vector.bitcast %parallel_loop3A_142 : vector<16xi32> to vector<16xf32>
        %parallel_loop3A_144 = arith.andi %parallel_loop3A_139, %broadcast_in_dim3A_25 : vector<16xi32>
        %parallel_loop3A_145 = arith.constant 6 : i32
        %parallel_loop3A_146 = vector.broadcast %parallel_loop3A_145 : i32 to vector<16xi32>
        %parallel_loop3A_147 = arith.shli %parallel_loop3A_144, %parallel_loop3A_146 : vector<16xi32>
        %parallel_loop3A_148 = arith.addi %add3A_28, %parallel_loop3A_147 : vector<16xi32>
        %parallel_loop3A_149 = tpu.vector_load_idx %arg10[%parallel_loop3A_138, %parallel_loop3A_148] : memref<96x128xi32, #tpu.memory_space<vmem>>[vector<16xi32>, vector<16xi32>], vector<16xi32>,
        %parallel_loop3A_150 = vector.bitcast %parallel_loop3A_149 : vector<16xi32> to vector<32xbf16>
        %parallel_loop3A_151 = tpu.unpack_subelements %parallel_loop3A_150, 0 {pack_format = #tpu.pack_format<interleaved>} : vector<32xbf16> -> vector<16xf32>
        %parallel_loop3A_152 = tpu.unpack_subelements %parallel_loop3A_150, 1 {pack_format = #tpu.pack_format<interleaved>} : vector<32xbf16> -> vector<16xf32>
        %parallel_loop3A_153 = arith.mulf %parallel_loop3A_151, %parallel_loop3A_143 : vector<16xf32>
        %parallel_loop3A_154 = arith.index_cast %parallel_loop3A_137 : i32 to index
        %parallel_loop3A_155 = arith.constant 0 : index
        %parallel_loop3A_156 = tpu.vector_load %arg12[%parallel_loop3A_154, %parallel_loop3A_155] {strides = array<i32>} : memref<96x128xf32, #tpu.memory_space<vmem>>, vector<16xf32>,
        tpu.vector_store %arg12[%parallel_loop3A_154, %parallel_loop3A_155], %parallel_loop3A_153 {strides = array<i32>} : memref<96x128xf32, #tpu.memory_space<vmem>>, vector<16xf32>,
        %parallel_loop3A_157 = arith.mulf %parallel_loop3A_152, %parallel_loop3A_143 : vector<16xf32>
        %parallel_loop3A_158 = arith.index_cast %parallel_loop3A_137 : i32 to index
        %parallel_loop3A_159 = arith.constant 16 : index
        %parallel_loop3A_160 = tpu.vector_load %arg12[%parallel_loop3A_158, %parallel_loop3A_159] {strides = array<i32>} : memref<96x128xf32, #tpu.memory_space<vmem>>, vector<16xf32>,
        tpu.vector_store %arg12[%parallel_loop3A_158, %parallel_loop3A_159], %parallel_loop3A_157 {strides = array<i32>} : memref<96x128xf32, #tpu.memory_space<vmem>>, vector<16xf32>,
        %parallel_loop3A_161 = arith.addi %add3A_31, %parallel_loop3A_147 : vector<16xi32>
        %parallel_loop3A_162 = tpu.vector_load_idx %arg10[%parallel_loop3A_138, %parallel_loop3A_161] : memref<96x128xi32, #tpu.memory_space<vmem>>[vector<16xi32>, vector<16xi32>], vector<16xi32>,
        %parallel_loop3A_163 = vector.bitcast %parallel_loop3A_162 : vector<16xi32> to vector<32xbf16>
        %parallel_loop3A_164 = tpu.unpack_subelements %parallel_loop3A_163, 0 {pack_format = #tpu.pack_format<interleaved>} : vector<32xbf16> -> vector<16xf32>
        %parallel_loop3A_165 = tpu.unpack_subelements %parallel_loop3A_163, 1 {pack_format = #tpu.pack_format<interleaved>} : vector<32xbf16> -> vector<16xf32>
        %parallel_loop3A_166 = arith.mulf %parallel_loop3A_164, %parallel_loop3A_143 : vector<16xf32>
        %parallel_loop3A_167 = arith.index_cast %parallel_loop3A_137 : i32 to index
        %parallel_loop3A_168 = arith.constant 32 : index
        %parallel_loop3A_169 = tpu.vector_load %arg12[%parallel_loop3A_167, %parallel_loop3A_168] {strides = array<i32>} : memref<96x128xf32, #tpu.memory_space<vmem>>, vector<16xf32>,
        tpu.vector_store %arg12[%parallel_loop3A_167, %parallel_loop3A_168], %parallel_loop3A_166 {strides = array<i32>} : memref<96x128xf32, #tpu.memory_space<vmem>>, vector<16xf32>,
        %parallel_loop3A_170 = arith.mulf %parallel_loop3A_165, %parallel_loop3A_143 : vector<16xf32>
        %parallel_loop3A_171 = arith.index_cast %parallel_loop3A_137 : i32 to index
        %parallel_loop3A_172 = arith.constant 48 : index
        %parallel_loop3A_173 = tpu.vector_load %arg12[%parallel_loop3A_171, %parallel_loop3A_172] {strides = array<i32>} : memref<96x128xf32, #tpu.memory_space<vmem>>, vector<16xf32>,
        tpu.vector_store %arg12[%parallel_loop3A_171, %parallel_loop3A_172], %parallel_loop3A_170 {strides = array<i32>} : memref<96x128xf32, #tpu.memory_space<vmem>>, vector<16xf32>,
        %parallel_loop3A_174 = arith.addi %add3A_34, %parallel_loop3A_147 : vector<16xi32>
        %parallel_loop3A_175 = tpu.vector_load_idx %arg10[%parallel_loop3A_138, %parallel_loop3A_174] : memref<96x128xi32, #tpu.memory_space<vmem>>[vector<16xi32>, vector<16xi32>], vector<16xi32>,
        %parallel_loop3A_176 = vector.bitcast %parallel_loop3A_175 : vector<16xi32> to vector<32xbf16>
        %parallel_loop3A_177 = tpu.unpack_subelements %parallel_loop3A_176, 0 {pack_format = #tpu.pack_format<interleaved>} : vector<32xbf16> -> vector<16xf32>
        %parallel_loop3A_178 = tpu.unpack_subelements %parallel_loop3A_176, 1 {pack_format = #tpu.pack_format<interleaved>} : vector<32xbf16> -> vector<16xf32>
        %parallel_loop3A_179 = arith.mulf %parallel_loop3A_177, %parallel_loop3A_143 : vector<16xf32>
        %parallel_loop3A_180 = arith.index_cast %parallel_loop3A_137 : i32 to index
        %parallel_loop3A_181 = arith.constant 64 : index
        %parallel_loop3A_182 = tpu.vector_load %arg12[%parallel_loop3A_180, %parallel_loop3A_181] {strides = array<i32>} : memref<96x128xf32, #tpu.memory_space<vmem>>, vector<16xf32>,
        tpu.vector_store %arg12[%parallel_loop3A_180, %parallel_loop3A_181], %parallel_loop3A_179 {strides = array<i32>} : memref<96x128xf32, #tpu.memory_space<vmem>>, vector<16xf32>,
        %parallel_loop3A_183 = arith.mulf %parallel_loop3A_178, %parallel_loop3A_143 : vector<16xf32>
        %parallel_loop3A_184 = arith.index_cast %parallel_loop3A_137 : i32 to index
        %parallel_loop3A_185 = arith.constant 80 : index
        %parallel_loop3A_186 = tpu.vector_load %arg12[%parallel_loop3A_184, %parallel_loop3A_185] {strides = array<i32>} : memref<96x128xf32, #tpu.memory_space<vmem>>, vector<16xf32>,
        tpu.vector_store %arg12[%parallel_loop3A_184, %parallel_loop3A_185], %parallel_loop3A_183 {strides = array<i32>} : memref<96x128xf32, #tpu.memory_space<vmem>>, vector<16xf32>,
        %parallel_loop3A_187 = arith.addi %add3A_37, %parallel_loop3A_147 : vector<16xi32>
        %parallel_loop3A_188 = tpu.vector_load_idx %arg10[%parallel_loop3A_138, %parallel_loop3A_187] : memref<96x128xi32, #tpu.memory_space<vmem>>[vector<16xi32>, vector<16xi32>], vector<16xi32>,
        %parallel_loop3A_189 = vector.bitcast %parallel_loop3A_188 : vector<16xi32> to vector<32xbf16>
        %parallel_loop3A_190 = tpu.unpack_subelements %parallel_loop3A_189, 0 {pack_format = #tpu.pack_format<interleaved>} : vector<32xbf16> -> vector<16xf32>
        %parallel_loop3A_191 = tpu.unpack_subelements %parallel_loop3A_189, 1 {pack_format = #tpu.pack_format<interleaved>} : vector<32xbf16> -> vector<16xf32>
        %parallel_loop3A_192 = arith.mulf %parallel_loop3A_190, %parallel_loop3A_143 : vector<16xf32>
        %parallel_loop3A_193 = arith.index_cast %parallel_loop3A_137 : i32 to index
        %parallel_loop3A_194 = arith.constant 96 : index
        %parallel_loop3A_195 = tpu.vector_load %arg12[%parallel_loop3A_193, %parallel_loop3A_194] {strides = array<i32>} : memref<96x128xf32, #tpu.memory_space<vmem>>, vector<16xf32>,
        tpu.vector_store %arg12[%parallel_loop3A_193, %parallel_loop3A_194], %parallel_loop3A_192 {strides = array<i32>} : memref<96x128xf32, #tpu.memory_space<vmem>>, vector<16xf32>,
        %parallel_loop3A_196 = arith.mulf %parallel_loop3A_191, %parallel_loop3A_143 : vector<16xf32>
        %parallel_loop3A_197 = arith.index_cast %parallel_loop3A_137 : i32 to index
        %parallel_loop3A_198 = arith.constant 112 : index
        %parallel_loop3A_199 = tpu.vector_load %arg12[%parallel_loop3A_197, %parallel_loop3A_198] {strides = array<i32>} : memref<96x128xf32, #tpu.memory_space<vmem>>, vector<16xf32>,
        tpu.vector_store %arg12[%parallel_loop3A_197, %parallel_loop3A_198], %parallel_loop3A_196 {strides = array<i32>} : memref<96x128xf32, #tpu.memory_space<vmem>>, vector<16xf32>,
      } {sc.loop_unroll_factor = 4 : i64, sc.parallel_access}
      %scan3A_83 = arith.constant 0 : i32
      %scan3A_84 = arith.constant 6 : i32
      %scan3A_85 = arith.addi %scan3A_83, %scan3A_84 : i32
      %scan3A_86 = arith.constant 1 : i32
      scf.for %scan3A_137 = %scan3A_83 to %scan3A_85 step %scan3A_86  : i32 {
        %mul3A_138 = arith.constant 16 : i32
        %mul3A_139 = arith.muli %scan3A_137, %mul3A_138 : i32
        %add3A_140 = arith.constant 0 : i32
        %add3A_141 = arith.addi %add3A_140, %mul3A_139 : i32
        %get3A = arith.index_cast %add3A_7 : i32 to index
        %get3A_142 = arith.index_cast %add3A_141 : i32 to index
        %get3A_143 = tpu.vector_load %arg6[%get3A, %get3A_142] {strides = array<i32>} : memref<4x96xi32, #tpu.memory_space<vmem>>, vector<16xi32>,
        %swap3A = arith.constant 0 : i32
        %swap3A_144 = arith.index_cast %swap3A : i32 to index
        %swap3A_145 = arith.index_cast %add3A_141 : i32 to index
        %swap3A_146 = tpu.vector_load %arg8[%swap3A_144, %swap3A_145] {strides = array<i32>} : memref<1x96xi32, #tpu.memory_space<vmem>>, vector<16xi32>,
        tpu.vector_store %arg8[%swap3A_144, %swap3A_145], %get3A_143 {strides = array<i32>} : memref<1x96xi32, #tpu.memory_space<vmem>>, vector<16xi32>,
      }
      %scan3A_87 = arith.constant 6 : i32
      %dma_start3A_88 = arith.constant 0 : i32
      %dma_start3A_89 = arith.constant 0 : i32
      %dma_start3A_90 = tpu.memref_slice %arg8[%dma_start3A_88, %dma_start3A_89] : memref<1x96xi32, #tpu.memory_space<vmem>> -> memref<1x96xi32, #tpu.memory_space<vmem>>
      %dma_start3A_91 = tpu.memref_squeeze %dma_start3A_90 : memref<1x96xi32, #tpu.memory_space<vmem>> -> memref<96xi32, #tpu.memory_space<vmem>>
      %dma_start3A_92 = arith.constant 0 : i32
      %dma_start3A_93 = arith.constant 0 : i32
      %dma_start3A_94 = tpu.memref_slice %arg15[%dma_start3A_92, %dma_start3A_93] : memref<5008x128xf32, #tpu.memory_space<vmem_shared>> -> memref<5008x128xf32, #tpu.memory_space<vmem_shared>>
      tpu.enqueue_indirect_dma source(%arg12 : memref<96x128xf32, #tpu.memory_space<vmem>>) target(%dma_start3A_94 : memref<5008x128xf32, #tpu.memory_space<vmem_shared>>) offsets(%dma_start3A_91 : memref<96xi32, #tpu.memory_space<vmem>>) semaphore(%arg18 : memref<!tpu.dma_semaphore, #tpu.memory_space<semaphore_mem>>) {add = true}
      %add3A_95 = arith.constant 2 : i32
      %add3A_96 = arith.addi %add3A_70, %add3A_95 : i32
      %lt3A_97 = arith.constant 210 : i32
      %lt3A_98 = arith.cmpi slt, %add3A_96, %lt3A_97 : i32
      %convert_element_type3A_99 = arith.extui %lt3A_98 : i1 to i32
      %cond3A_100 = arith.constant 0 : i32
      %cond3A_101 = arith.cmpi ne, %convert_element_type3A_99, %cond3A_100 : i32
      scf.if %cond3A_101 {
        %add3A_137 = arith.addi %mul3A_6, %add3A_70 : i32
        %add3A_138 = arith.constant 2 : i32
        %add3A_139 = arith.addi %add3A_137, %add3A_138 : i32
        %dma_start3A_140 = arith.constant 0 : i32
        %dma_start3A_141 = arith.constant 0 : i32
        %dma_start3A_142 = tpu.memref_slice %arg3[%add3A_139, %dma_start3A_140, %dma_start3A_141] : memref<3360x4x96xi32, #tpu.memory_space<hbm>> -> memref<1x4x96xi32, #tpu.memory_space<hbm>>
        %dma_start3A_143 = tpu.memref_squeeze %dma_start3A_142 : memref<1x4x96xi32, #tpu.memory_space<hbm>> -> memref<4x96xi32, #tpu.memory_space<hbm>>
        %dma_start3A_144 = arith.constant 0 : i32
        %dma_start3A_145 = arith.constant 0 : i32
        %dma_start3A_146 = tpu.memref_slice %arg3[%add3A_139, %dma_start3A_144, %dma_start3A_145] : memref<3360x4x96xi32, #tpu.memory_space<hbm>> -> memref<1x4x96xi32, #tpu.memory_space<hbm>>
        %dma_start3A_147 = tpu.memref_squeeze %dma_start3A_146 : memref<1x4x96xi32, #tpu.memory_space<hbm>> -> memref<4x96xi32, #tpu.memory_space<hbm>>
        tpu.enqueue_dma source(%dma_start3A_147 : memref<4x96xi32, #tpu.memory_space<hbm>>) target(%arg6 : memref<4x96xi32, #tpu.memory_space<vmem>>) target_semaphore(%arg20 : memref<!tpu.dma_semaphore, #tpu.memory_space<semaphore_mem>>)
        %dma_wait3A_148 = arith.constant 0 : i32
        %dma_wait3A_149 = arith.constant 0 : i32
        %dma_wait3A_150 = tpu.memref_slice %arg3[%mul3A_6, %dma_wait3A_148, %dma_wait3A_149] : memref<3360x4x96xi32, #tpu.memory_space<hbm>> -> memref<1x4x96xi32, #tpu.memory_space<hbm>>
        %dma_wait3A_151 = tpu.memref_squeeze %dma_wait3A_150 : memref<1x4x96xi32, #tpu.memory_space<hbm>> -> memref<4x96xi32, #tpu.memory_space<hbm>>
        %dma_wait3A_152 = arith.constant 0 : i32
        %dma_wait3A_153 = arith.constant 0 : i32
        %dma_wait3A_154 = tpu.memref_slice %arg3[%mul3A_6, %dma_wait3A_152, %dma_wait3A_153] : memref<3360x4x96xi32, #tpu.memory_space<hbm>> -> memref<1x4x96xi32, #tpu.memory_space<hbm>>
        %dma_wait3A_155 = tpu.memref_squeeze %dma_wait3A_154 : memref<1x4x96xi32, #tpu.memory_space<hbm>> -> memref<4x96xi32, #tpu.memory_space<hbm>>
        tpu.wait_dma2 semaphore(%arg20 : memref<!tpu.dma_semaphore, #tpu.memory_space<semaphore_mem>>) src(%dma_wait3A_155 : memref<4x96xi32, #tpu.memory_space<hbm>>) dst(%arg6 : memref<4x96xi32, #tpu.memory_space<vmem>>)
        %dma_start3A_156 = arith.constant 0 : i32
        %dma_start3A_157 = arith.constant 0 : i32
        %dma_start3A_158 = tpu.memref_slice %arg6[%dma_start3A_156, %dma_start3A_157] : memref<4x96xi32, #tpu.memory_space<vmem>> -> memref<1x96xi32, #tpu.memory_space<vmem>>
        %dma_start3A_159 = tpu.memref_squeeze %dma_start3A_158 : memref<1x96xi32, #tpu.memory_space<vmem>> -> memref<96xi32, #tpu.memory_space<vmem>>
        %dma_start3A_160 = arith.constant 0 : i32
        %dma_start3A_161 = arith.constant 0 : i32
        %dma_start3A_162 = tpu.memref_slice %arg14[%dma_start3A_160, %dma_start3A_161] : memref<5000x128xi32, #tpu.memory_space<vmem_shared>> -> memref<5000x128xi32, #tpu.memory_space<vmem_shared>>
        tpu.enqueue_indirect_dma source(%dma_start3A_162 : memref<5000x128xi32, #tpu.memory_space<vmem_shared>>) target(%arg10 : memref<96x128xi32, #tpu.memory_space<vmem>>) offsets(%dma_start3A_159 : memref<96xi32, #tpu.memory_space<vmem>>) semaphore(%arg16 : memref<!tpu.dma_semaphore, #tpu.memory_space<semaphore_mem>>)
      } else {
      }
      %add3A_102 = arith.constant 1 : i32
      %add3A_103 = arith.addi %add3A_68, %add3A_102 : i32
      %dma_wait3A_104 = arith.constant 0 : i32
      %dma_wait3A_105 = arith.constant 0 : i32
      %dma_wait3A_106 = tpu.memref_slice %arg4[%dma_wait3A_104, %dma_wait3A_105] : memref<5008x128xf32, #tpu.memory_space<hbm>> -> memref<96x128xf32, #tpu.memory_space<hbm>>
      %dma_wait3A_107 = arith.constant 0 : i32
      %dma_wait3A_108 = arith.constant 0 : i32
      %dma_wait3A_109 = tpu.memref_slice %arg4[%dma_wait3A_107, %dma_wait3A_108] : memref<5008x128xf32, #tpu.memory_space<hbm>> -> memref<96x128xf32, #tpu.memory_space<hbm>>
      tpu.wait_dma2 semaphore(%arg17 : memref<!tpu.dma_semaphore, #tpu.memory_space<semaphore_mem>>) src(%dma_wait3A_109 : memref<96x128xf32, #tpu.memory_space<hbm>>) dst(%arg11 : memref<96x128xi32, #tpu.memory_space<vmem>>)
      %ge3A_110 = arith.constant 2 : i32
      %ge3A_111 = arith.cmpi sge, %add3A_103, %ge3A_110 : i32
      %convert_element_type3A_112 = arith.extui %ge3A_111 : i1 to i32
      %cond3A_113 = arith.constant 0 : i32
      %cond3A_114 = arith.cmpi ne, %convert_element_type3A_112, %cond3A_113 : i32
      scf.if %cond3A_114 {
        %dma_wait3A_137 = arith.constant 0 : i32
        %dma_wait3A_138 = arith.constant 0 : i32
        %dma_wait3A_139 = tpu.memref_slice %arg4[%dma_wait3A_137, %dma_wait3A_138] : memref<5008x128xf32, #tpu.memory_space<hbm>> -> memref<96x128xf32, #tpu.memory_space<hbm>>
        %dma_wait3A_140 = arith.constant 0 : i32
        %dma_wait3A_141 = arith.constant 0 : i32
        %dma_wait3A_142 = tpu.memref_slice %arg4[%dma_wait3A_140, %dma_wait3A_141] : memref<5008x128xf32, #tpu.memory_space<hbm>> -> memref<96x128xf32, #tpu.memory_space<hbm>>
        tpu.wait_dma2 semaphore(%arg19 : memref<!tpu.dma_semaphore, #tpu.memory_space<semaphore_mem>>) src(%dma_wait3A_142 : memref<96x128xf32, #tpu.memory_space<hbm>>) dst(%arg13 : memref<96x128xf32, #tpu.memory_space<vmem>>)
      } else {
      }
      %parallel_loop3A_115 = arith.constant 0 : i32
      %parallel_loop3A_116 = arith.constant 96 : i32
      %parallel_loop3A_117 = arith.constant 1 : i32
      scf.for %parallel_loop3A_137 = %parallel_loop3A_115 to %parallel_loop3A_116 step %parallel_loop3A_117  : i32 {
        %parallel_loop3A_138 = vector.broadcast %parallel_loop3A_137 : i32 to vector<16xi32>
        %parallel_loop3A_139 = tpu.vector_load_idx %arg7[%broadcast_in_dim3A_23, %parallel_loop3A_138] : memref<4x96xi32, #tpu.memory_space<vmem>>[vector<16xi32>, vector<16xi32>], vector<16xi32>,
        %parallel_loop3A_140 = arith.constant dense<-1> : vector<16xi32>
        %parallel_loop3A_141 = arith.xori %broadcast_in_dim3A_25, %parallel_loop3A_140 : vector<16xi32>
        %parallel_loop3A_142 = arith.andi %parallel_loop3A_139, %parallel_loop3A_141 : vector<16xi32>
        %parallel_loop3A_143 = vector.bitcast %parallel_loop3A_142 : vector<16xi32> to vector<16xf32>
        %parallel_loop3A_144 = arith.andi %parallel_loop3A_139, %broadcast_in_dim3A_25 : vector<16xi32>
        %parallel_loop3A_145 = arith.constant 6 : i32
        %parallel_loop3A_146 = vector.broadcast %parallel_loop3A_145 : i32 to vector<16xi32>
        %parallel_loop3A_147 = arith.shli %parallel_loop3A_144, %parallel_loop3A_146 : vector<16xi32>
        %parallel_loop3A_148 = arith.addi %add3A_28, %parallel_loop3A_147 : vector<16xi32>
        %parallel_loop3A_149 = tpu.vector_load_idx %arg11[%parallel_loop3A_138, %parallel_loop3A_148] : memref<96x128xi32, #tpu.memory_space<vmem>>[vector<16xi32>, vector<16xi32>], vector<16xi32>,
        %parallel_loop3A_150 = vector.bitcast %parallel_loop3A_149 : vector<16xi32> to vector<32xbf16>
        %parallel_loop3A_151 = tpu.unpack_subelements %parallel_loop3A_150, 0 {pack_format = #tpu.pack_format<interleaved>} : vector<32xbf16> -> vector<16xf32>
        %parallel_loop3A_152 = tpu.unpack_subelements %parallel_loop3A_150, 1 {pack_format = #tpu.pack_format<interleaved>} : vector<32xbf16> -> vector<16xf32>
        %parallel_loop3A_153 = arith.mulf %parallel_loop3A_151, %parallel_loop3A_143 : vector<16xf32>
        %parallel_loop3A_154 = arith.index_cast %parallel_loop3A_137 : i32 to index
        %parallel_loop3A_155 = arith.constant 0 : index
        %parallel_loop3A_156 = tpu.vector_load %arg13[%parallel_loop3A_154, %parallel_loop3A_155] {strides = array<i32>} : memref<96x128xf32, #tpu.memory_space<vmem>>, vector<16xf32>,
        tpu.vector_store %arg13[%parallel_loop3A_154, %parallel_loop3A_155], %parallel_loop3A_153 {strides = array<i32>} : memref<96x128xf32, #tpu.memory_space<vmem>>, vector<16xf32>,
        %parallel_loop3A_157 = arith.mulf %parallel_loop3A_152, %parallel_loop3A_143 : vector<16xf32>
        %parallel_loop3A_158 = arith.index_cast %parallel_loop3A_137 : i32 to index
        %parallel_loop3A_159 = arith.constant 16 : index
        %parallel_loop3A_160 = tpu.vector_load %arg13[%parallel_loop3A_158, %parallel_loop3A_159] {strides = array<i32>} : memref<96x128xf32, #tpu.memory_space<vmem>>, vector<16xf32>,
        tpu.vector_store %arg13[%parallel_loop3A_158, %parallel_loop3A_159], %parallel_loop3A_157 {strides = array<i32>} : memref<96x128xf32, #tpu.memory_space<vmem>>, vector<16xf32>,
        %parallel_loop3A_161 = arith.addi %add3A_31, %parallel_loop3A_147 : vector<16xi32>
        %parallel_loop3A_162 = tpu.vector_load_idx %arg11[%parallel_loop3A_138, %parallel_loop3A_161] : memref<96x128xi32, #tpu.memory_space<vmem>>[vector<16xi32>, vector<16xi32>], vector<16xi32>,
        %parallel_loop3A_163 = vector.bitcast %parallel_loop3A_162 : vector<16xi32> to vector<32xbf16>
        %parallel_loop3A_164 = tpu.unpack_subelements %parallel_loop3A_163, 0 {pack_format = #tpu.pack_format<interleaved>} : vector<32xbf16> -> vector<16xf32>
        %parallel_loop3A_165 = tpu.unpack_subelements %parallel_loop3A_163, 1 {pack_format = #tpu.pack_format<interleaved>} : vector<32xbf16> -> vector<16xf32>
        %parallel_loop3A_166 = arith.mulf %parallel_loop3A_164, %parallel_loop3A_143 : vector<16xf32>
        %parallel_loop3A_167 = arith.index_cast %parallel_loop3A_137 : i32 to index
        %parallel_loop3A_168 = arith.constant 32 : index
        %parallel_loop3A_169 = tpu.vector_load %arg13[%parallel_loop3A_167, %parallel_loop3A_168] {strides = array<i32>} : memref<96x128xf32, #tpu.memory_space<vmem>>, vector<16xf32>,
        tpu.vector_store %arg13[%parallel_loop3A_167, %parallel_loop3A_168], %parallel_loop3A_166 {strides = array<i32>} : memref<96x128xf32, #tpu.memory_space<vmem>>, vector<16xf32>,
        %parallel_loop3A_170 = arith.mulf %parallel_loop3A_165, %parallel_loop3A_143 : vector<16xf32>
        %parallel_loop3A_171 = arith.index_cast %parallel_loop3A_137 : i32 to index
        %parallel_loop3A_172 = arith.constant 48 : index
        %parallel_loop3A_173 = tpu.vector_load %arg13[%parallel_loop3A_171, %parallel_loop3A_172] {strides = array<i32>} : memref<96x128xf32, #tpu.memory_space<vmem>>, vector<16xf32>,
        tpu.vector_store %arg13[%parallel_loop3A_171, %parallel_loop3A_172], %parallel_loop3A_170 {strides = array<i32>} : memref<96x128xf32, #tpu.memory_space<vmem>>, vector<16xf32>,
        %parallel_loop3A_174 = arith.addi %add3A_34, %parallel_loop3A_147 : vector<16xi32>
        %parallel_loop3A_175 = tpu.vector_load_idx %arg11[%parallel_loop3A_138, %parallel_loop3A_174] : memref<96x128xi32, #tpu.memory_space<vmem>>[vector<16xi32>, vector<16xi32>], vector<16xi32>,
        %parallel_loop3A_176 = vector.bitcast %parallel_loop3A_175 : vector<16xi32> to vector<32xbf16>
        %parallel_loop3A_177 = tpu.unpack_subelements %parallel_loop3A_176, 0 {pack_format = #tpu.pack_format<interleaved>} : vector<32xbf16> -> vector<16xf32>
        %parallel_loop3A_178 = tpu.unpack_subelements %parallel_loop3A_176, 1 {pack_format = #tpu.pack_format<interleaved>} : vector<32xbf16> -> vector<16xf32>
        %parallel_loop3A_179 = arith.mulf %parallel_loop3A_177, %parallel_loop3A_143 : vector<16xf32>
        %parallel_loop3A_180 = arith.index_cast %parallel_loop3A_137 : i32 to index
        %parallel_loop3A_181 = arith.constant 64 : index
        %parallel_loop3A_182 = tpu.vector_load %arg13[%parallel_loop3A_180, %parallel_loop3A_181] {strides = array<i32>} : memref<96x128xf32, #tpu.memory_space<vmem>>, vector<16xf32>,
        tpu.vector_store %arg13[%parallel_loop3A_180, %parallel_loop3A_181], %parallel_loop3A_179 {strides = array<i32>} : memref<96x128xf32, #tpu.memory_space<vmem>>, vector<16xf32>,
        %parallel_loop3A_183 = arith.mulf %parallel_loop3A_178, %parallel_loop3A_143 : vector<16xf32>
        %parallel_loop3A_184 = arith.index_cast %parallel_loop3A_137 : i32 to index
        %parallel_loop3A_185 = arith.constant 80 : index
        %parallel_loop3A_186 = tpu.vector_load %arg13[%parallel_loop3A_184, %parallel_loop3A_185] {strides = array<i32>} : memref<96x128xf32, #tpu.memory_space<vmem>>, vector<16xf32>,
        tpu.vector_store %arg13[%parallel_loop3A_184, %parallel_loop3A_185], %parallel_loop3A_183 {strides = array<i32>} : memref<96x128xf32, #tpu.memory_space<vmem>>, vector<16xf32>,
        %parallel_loop3A_187 = arith.addi %add3A_37, %parallel_loop3A_147 : vector<16xi32>
        %parallel_loop3A_188 = tpu.vector_load_idx %arg11[%parallel_loop3A_138, %parallel_loop3A_187] : memref<96x128xi32, #tpu.memory_space<vmem>>[vector<16xi32>, vector<16xi32>], vector<16xi32>,
        %parallel_loop3A_189 = vector.bitcast %parallel_loop3A_188 : vector<16xi32> to vector<32xbf16>
        %parallel_loop3A_190 = tpu.unpack_subelements %parallel_loop3A_189, 0 {pack_format = #tpu.pack_format<interleaved>} : vector<32xbf16> -> vector<16xf32>
        %parallel_loop3A_191 = tpu.unpack_subelements %parallel_loop3A_189, 1 {pack_format = #tpu.pack_format<interleaved>} : vector<32xbf16> -> vector<16xf32>
        %parallel_loop3A_192 = arith.mulf %parallel_loop3A_190, %parallel_loop3A_143 : vector<16xf32>
        %parallel_loop3A_193 = arith.index_cast %parallel_loop3A_137 : i32 to index
        %parallel_loop3A_194 = arith.constant 96 : index
        %parallel_loop3A_195 = tpu.vector_load %arg13[%parallel_loop3A_193, %parallel_loop3A_194] {strides = array<i32>} : memref<96x128xf32, #tpu.memory_space<vmem>>, vector<16xf32>,
        tpu.vector_store %arg13[%parallel_loop3A_193, %parallel_loop3A_194], %parallel_loop3A_192 {strides = array<i32>} : memref<96x128xf32, #tpu.memory_space<vmem>>, vector<16xf32>,
        %parallel_loop3A_196 = arith.mulf %parallel_loop3A_191, %parallel_loop3A_143 : vector<16xf32>
        %parallel_loop3A_197 = arith.index_cast %parallel_loop3A_137 : i32 to index
        %parallel_loop3A_198 = arith.constant 112 : index
        %parallel_loop3A_199 = tpu.vector_load %arg13[%parallel_loop3A_197, %parallel_loop3A_198] {strides = array<i32>} : memref<96x128xf32, #tpu.memory_space<vmem>>, vector<16xf32>,
        tpu.vector_store %arg13[%parallel_loop3A_197, %parallel_loop3A_198], %parallel_loop3A_196 {strides = array<i32>} : memref<96x128xf32, #tpu.memory_space<vmem>>, vector<16xf32>,
      } {sc.loop_unroll_factor = 4 : i64, sc.parallel_access}
      %scan3A_118 = arith.constant 0 : i32
      %scan3A_119 = arith.constant 6 : i32
      %scan3A_120 = arith.addi %scan3A_118, %scan3A_119 : i32
      %scan3A_121 = arith.constant 1 : i32
      scf.for %scan3A_137 = %scan3A_118 to %scan3A_120 step %scan3A_121  : i32 {
        %mul3A_138 = arith.constant 16 : i32
        %mul3A_139 = arith.muli %scan3A_137, %mul3A_138 : i32
        %add3A_140 = arith.constant 0 : i32
        %add3A_141 = arith.addi %add3A_140, %mul3A_139 : i32
        %get3A = arith.index_cast %add3A_7 : i32 to index
        %get3A_142 = arith.index_cast %add3A_141 : i32 to index
        %get3A_143 = tpu.vector_load %arg7[%get3A, %get3A_142] {strides = array<i32>} : memref<4x96xi32, #tpu.memory_space<vmem>>, vector<16xi32>,
        %swap3A = arith.constant 0 : i32
        %swap3A_144 = arith.index_cast %swap3A : i32 to index
        %swap3A_145 = arith.index_cast %add3A_141 : i32 to index
        %swap3A_146 = tpu.vector_load %arg9[%swap3A_144, %swap3A_145] {strides = array<i32>} : memref<1x96xi32, #tpu.memory_space<vmem>>, vector<16xi32>,
        tpu.vector_store %arg9[%swap3A_144, %swap3A_145], %get3A_143 {strides = array<i32>} : memref<1x96xi32, #tpu.memory_space<vmem>>, vector<16xi32>,
      }
      %scan3A_122 = arith.constant 6 : i32
      %dma_start3A_123 = arith.constant 0 : i32
      %dma_start3A_124 = arith.constant 0 : i32
      %dma_start3A_125 = tpu.memref_slice %arg9[%dma_start3A_123, %dma_start3A_124] : memref<1x96xi32, #tpu.memory_space<vmem>> -> memref<1x96xi32, #tpu.memory_space<vmem>>
      %dma_start3A_126 = tpu.memref_squeeze %dma_start3A_125 : memref<1x96xi32, #tpu.memory_space<vmem>> -> memref<96xi32, #tpu.memory_space<vmem>>
      %dma_start3A_127 = arith.constant 0 : i32
      %dma_start3A_128 = arith.constant 0 : i32
      %dma_start3A_129 = tpu.memref_slice %arg15[%dma_start3A_127, %dma_start3A_128] : memref<5008x128xf32, #tpu.memory_space<vmem_shared>> -> memref<5008x128xf32, #tpu.memory_space<vmem_shared>>
      tpu.enqueue_indirect_dma source(%arg13 : memref<96x128xf32, #tpu.memory_space<vmem>>) target(%dma_start3A_129 : memref<5008x128xf32, #tpu.memory_space<vmem_shared>>) offsets(%dma_start3A_126 : memref<96xi32, #tpu.memory_space<vmem>>) semaphore(%arg19 : memref<!tpu.dma_semaphore, #tpu.memory_space<semaphore_mem>>) {add = true}
      %add3A_130 = arith.constant 2 : i32
      %add3A_131 = arith.addi %add3A_103, %add3A_130 : i32
      %lt3A_132 = arith.constant 210 : i32
      %lt3A_133 = arith.cmpi slt, %add3A_131, %lt3A_132 : i32
      %convert_element_type3A_134 = arith.extui %lt3A_133 : i1 to i32
      %cond3A_135 = arith.constant 0 : i32
      %cond3A_136 = arith.cmpi ne, %convert_element_type3A_134, %cond3A_135 : i32
      scf.if %cond3A_136 {
        %add3A_137 = arith.addi %mul3A_6, %add3A_103 : i32
        %add3A_138 = arith.constant 2 : i32
        %add3A_139 = arith.addi %add3A_137, %add3A_138 : i32
        %dma_start3A_140 = arith.constant 0 : i32
        %dma_start3A_141 = arith.constant 0 : i32
        %dma_start3A_142 = tpu.memref_slice %arg3[%add3A_139, %dma_start3A_140, %dma_start3A_141] : memref<3360x4x96xi32, #tpu.memory_space<hbm>> -> memref<1x4x96xi32, #tpu.memory_space<hbm>>
        %dma_start3A_143 = tpu.memref_squeeze %dma_start3A_142 : memref<1x4x96xi32, #tpu.memory_space<hbm>> -> memref<4x96xi32, #tpu.memory_space<hbm>>
        %dma_start3A_144 = arith.constant 0 : i32
        %dma_start3A_145 = arith.constant 0 : i32
        %dma_start3A_146 = tpu.memref_slice %arg3[%add3A_139, %dma_start3A_144, %dma_start3A_145] : memref<3360x4x96xi32, #tpu.memory_space<hbm>> -> memref<1x4x96xi32, #tpu.memory_space<hbm>>
        %dma_start3A_147 = tpu.memref_squeeze %dma_start3A_146 : memref<1x4x96xi32, #tpu.memory_space<hbm>> -> memref<4x96xi32, #tpu.memory_space<hbm>>
        tpu.enqueue_dma source(%dma_start3A_147 : memref<4x96xi32, #tpu.memory_space<hbm>>) target(%arg7 : memref<4x96xi32, #tpu.memory_space<vmem>>) target_semaphore(%arg21 : memref<!tpu.dma_semaphore, #tpu.memory_space<semaphore_mem>>)
        %dma_wait3A_148 = arith.constant 0 : i32
        %dma_wait3A_149 = arith.constant 0 : i32
        %dma_wait3A_150 = tpu.memref_slice %arg3[%mul3A_6, %dma_wait3A_148, %dma_wait3A_149] : memref<3360x4x96xi32, #tpu.memory_space<hbm>> -> memref<1x4x96xi32, #tpu.memory_space<hbm>>
        %dma_wait3A_151 = tpu.memref_squeeze %dma_wait3A_150 : memref<1x4x96xi32, #tpu.memory_space<hbm>> -> memref<4x96xi32, #tpu.memory_space<hbm>>
        %dma_wait3A_152 = arith.constant 0 : i32
        %dma_wait3A_153 = arith.constant 0 : i32
        %dma_wait3A_154 = tpu.memref_slice %arg3[%mul3A_6, %dma_wait3A_152, %dma_wait3A_153] : memref<3360x4x96xi32, #tpu.memory_space<hbm>> -> memref<1x4x96xi32, #tpu.memory_space<hbm>>
        %dma_wait3A_155 = tpu.memref_squeeze %dma_wait3A_154 : memref<1x4x96xi32, #tpu.memory_space<hbm>> -> memref<4x96xi32, #tpu.memory_space<hbm>>
        tpu.wait_dma2 semaphore(%arg21 : memref<!tpu.dma_semaphore, #tpu.memory_space<semaphore_mem>>) src(%dma_wait3A_155 : memref<4x96xi32, #tpu.memory_space<hbm>>) dst(%arg7 : memref<4x96xi32, #tpu.memory_space<vmem>>)
        %dma_start3A_156 = arith.constant 0 : i32
        %dma_start3A_157 = arith.constant 0 : i32
        %dma_start3A_158 = tpu.memref_slice %arg7[%dma_start3A_156, %dma_start3A_157] : memref<4x96xi32, #tpu.memory_space<vmem>> -> memref<1x96xi32, #tpu.memory_space<vmem>>
        %dma_start3A_159 = tpu.memref_squeeze %dma_start3A_158 : memref<1x96xi32, #tpu.memory_space<vmem>> -> memref<96xi32, #tpu.memory_space<vmem>>
        %dma_start3A_160 = arith.constant 0 : i32
        %dma_start3A_161 = arith.constant 0 : i32
        %dma_start3A_162 = tpu.memref_slice %arg14[%dma_start3A_160, %dma_start3A_161] : memref<5000x128xi32, #tpu.memory_space<vmem_shared>> -> memref<5000x128xi32, #tpu.memory_space<vmem_shared>>
        tpu.enqueue_indirect_dma source(%dma_start3A_162 : memref<5000x128xi32, #tpu.memory_space<vmem_shared>>) target(%arg11 : memref<96x128xi32, #tpu.memory_space<vmem>>) offsets(%dma_start3A_159 : memref<96xi32, #tpu.memory_space<vmem>>) semaphore(%arg17 : memref<!tpu.dma_semaphore, #tpu.memory_space<semaphore_mem>>)
      } else {
      }
    }
    %scan3A_41 = arith.constant 105 : i32
    %dma_wait3A = arith.constant 0 : i32
    %dma_wait3A_42 = arith.constant 0 : i32
    %dma_wait3A_43 = tpu.memref_slice %arg4[%dma_wait3A, %dma_wait3A_42] : memref<5008x128xf32, #tpu.memory_space<hbm>> -> memref<96x128xf32, #tpu.memory_space<hbm>>
    %dma_wait3A_44 = arith.constant 0 : i32
    %dma_wait3A_45 = arith.constant 0 : i32
    %dma_wait3A_46 = tpu.memref_slice %arg4[%dma_wait3A_44, %dma_wait3A_45] : memref<5008x128xf32, #tpu.memory_space<hbm>> -> memref<96x128xf32, #tpu.memory_space<hbm>>
    tpu.wait_dma2 semaphore(%arg18 : memref<!tpu.dma_semaphore, #tpu.memory_space<semaphore_mem>>) src(%dma_wait3A_46 : memref<96x128xf32, #tpu.memory_space<hbm>>) dst(%arg12 : memref<96x128xf32, #tpu.memory_space<vmem>>)
    %dma_wait3A_47 = arith.constant 0 : i32
    %dma_wait3A_48 = arith.constant 0 : i32
    %dma_wait3A_49 = tpu.memref_slice %arg4[%dma_wait3A_47, %dma_wait3A_48] : memref<5008x128xf32, #tpu.memory_space<hbm>> -> memref<96x128xf32, #tpu.memory_space<hbm>>
    %dma_wait3A_50 = arith.constant 0 : i32
    %dma_wait3A_51 = arith.constant 0 : i32
    %dma_wait3A_52 = tpu.memref_slice %arg4[%dma_wait3A_50, %dma_wait3A_51] : memref<5008x128xf32, #tpu.memory_space<hbm>> -> memref<96x128xf32, #tpu.memory_space<hbm>>
    tpu.wait_dma2 semaphore(%arg19 : memref<!tpu.dma_semaphore, #tpu.memory_space<semaphore_mem>>) src(%dma_wait3A_52 : memref<96x128xf32, #tpu.memory_space<hbm>>) dst(%arg13 : memref<96x128xf32, #tpu.memory_space<vmem>>)
    %barrier3A_53 = arith.constant 0 : index
    tpu.barrier barrier_id(%barrier3A_53)
    %lt3A_54 = arith.constant 15 : i32
    %lt3A_55 = arith.cmpi slt, %arg1, %lt3A_54 : i32
    %convert_element_type3A_56 = arith.extui %lt3A_55 : i1 to i32
    %cond3A_57 = arith.constant 0 : i32
    %cond3A_58 = arith.cmpi ne, %convert_element_type3A_56, %cond3A_57 : i32
    scf.if %cond3A_58 {
      %mul3A_64 = arith.constant 312 : i32
      %mul3A_65 = arith.muli %arg1, %mul3A_64 : i32
      %mul3A_66 = arith.constant 5000 : i32
      %mul3A_67 = arith.muli %arg0, %mul3A_66 : i32
      %mul3A_68 = arith.constant 312 : i32
      %mul3A_69 = arith.muli %arg1, %mul3A_68 : i32
      %add3A_70 = arith.addi %mul3A_67, %mul3A_69 : i32
      "tpu.region"() ({
        %run_scoped3A = tpu.sem_alloc : memref<!tpu.dma_semaphore, #tpu.memory_space<semaphore_mem>>
        %dma_start3A_71 = arith.constant 0 : i32
        %dma_start3A_72 = tpu.memref_slice %arg5[%add3A_70, %dma_start3A_71] : memref<10000x128xf32, #tpu.memory_space<hbm>> -> memref<312x128xf32, #tpu.memory_space<hbm>>
        %dma_start3A_73 = arith.constant 0 : i32
        %dma_start3A_74 = tpu.memref_slice %arg15[%mul3A_65, %dma_start3A_73] : memref<5008x128xf32, #tpu.memory_space<vmem_shared>> -> memref<312x128xf32, #tpu.memory_space<vmem_shared>>
        tpu.enqueue_dma source(%dma_start3A_74 : memref<312x128xf32, #tpu.memory_space<vmem_shared>>) target(%dma_start3A_72 : memref<312x128xf32, #tpu.memory_space<hbm>>) target_semaphore(%run_scoped3A : memref<!tpu.dma_semaphore, #tpu.memory_space<semaphore_mem>>)
        %dma_wait3A_75 = arith.constant 0 : i32
        %dma_wait3A_76 = tpu.memref_slice %arg5[%add3A_70, %dma_wait3A_75] : memref<10000x128xf32, #tpu.memory_space<hbm>> -> memref<312x128xf32, #tpu.memory_space<hbm>>
        %dma_wait3A_77 = arith.constant 0 : i32
        %dma_wait3A_78 = tpu.memref_slice %arg15[%mul3A_65, %dma_wait3A_77] : memref<5008x128xf32, #tpu.memory_space<vmem_shared>> -> memref<312x128xf32, #tpu.memory_space<vmem_shared>>
        tpu.wait_dma2 semaphore(%run_scoped3A : memref<!tpu.dma_semaphore, #tpu.memory_space<semaphore_mem>>) src(%dma_wait3A_78 : memref<312x128xf32, #tpu.memory_space<vmem_shared>>) dst(%dma_wait3A_76 : memref<312x128xf32, #tpu.memory_space<hbm>>)
        tpu.yield
      }) : () -> ()
    } else {
    }
    %eq3A_59 = arith.constant 15 : i32
    %eq3A_60 = arith.cmpi eq, %arg1, %eq3A_59 : i32
    %convert_element_type3A_61 = arith.extui %eq3A_60 : i1 to i32
    %cond3A_62 = arith.constant 0 : i32
    %cond3A_63 = arith.cmpi ne, %convert_element_type3A_61, %cond3A_62 : i32
    scf.if %cond3A_63 {
      %mul3A_64 = arith.constant 5000 : i32
      %mul3A_65 = arith.muli %arg0, %mul3A_64 : i32
      %add3A_66 = arith.constant 4680 : i32
      %add3A_67 = arith.addi %mul3A_65, %add3A_66 : i32
      "tpu.region"() ({
        %run_scoped3A = tpu.sem_alloc : memref<!tpu.dma_semaphore, #tpu.memory_space<semaphore_mem>>
        %dma_start3A_68 = arith.constant 0 : i32
        %dma_start3A_69 = tpu.memref_slice %arg5[%add3A_67, %dma_start3A_68] : memref<10000x128xf32, #tpu.memory_space<hbm>> -> memref<320x128xf32, #tpu.memory_space<hbm>>
        %dma_start3A_70 = arith.constant 4680 : i32
        %dma_start3A_71 = arith.constant 0 : i32
        %dma_start3A_72 = tpu.memref_slice %arg15[%dma_start3A_70, %dma_start3A_71] : memref<5008x128xf32, #tpu.memory_space<vmem_shared>> -> memref<320x128xf32, #tpu.memory_space<vmem_shared>>
        tpu.enqueue_dma source(%dma_start3A_72 : memref<320x128xf32, #tpu.memory_space<vmem_shared>>) target(%dma_start3A_69 : memref<320x128xf32, #tpu.memory_space<hbm>>) target_semaphore(%run_scoped3A : memref<!tpu.dma_semaphore, #tpu.memory_space<semaphore_mem>>)
        %dma_wait3A_73 = arith.constant 0 : i32
        %dma_wait3A_74 = tpu.memref_slice %arg5[%add3A_67, %dma_wait3A_73] : memref<10000x128xf32, #tpu.memory_space<hbm>> -> memref<320x128xf32, #tpu.memory_space<hbm>>
        %dma_wait3A_75 = arith.constant 4680 : i32
        %dma_wait3A_76 = arith.constant 0 : i32
        %dma_wait3A_77 = tpu.memref_slice %arg15[%dma_wait3A_75, %dma_wait3A_76] : memref<5008x128xf32, #tpu.memory_space<vmem_shared>> -> memref<320x128xf32, #tpu.memory_space<vmem_shared>>
        tpu.wait_dma2 semaphore(%run_scoped3A : memref<!tpu.dma_semaphore, #tpu.memory_space<semaphore_mem>>) src(%dma_wait3A_77 : memref<320x128xf32, #tpu.memory_space<vmem_shared>>) dst(%dma_wait3A_74 : memref<320x128xf32, #tpu.memory_space<hbm>>)
        tpu.yield
      }) : () -> ()
    } else {
    }
    return
  }
}

</mosaic_0001>

<sc_bundles>
// kernel: kernel.3.cloned.1.call-start
scs
__scs_entry_jumppad:
0x0: {  	(pc) =	sbr.rel $0x88, $3  }
0x1: {  	(tag) =	ssettag $0x0;
	lr =	simm.s32 $0x1  }
0x2: {  	[smem:$0x3F9E] =	sst lr;
	_ =	strace $0xD0000000  }
0x3: {  	_ = 	snop  }
0x4: {  	_ = 	snop  }
0x5: {  	_ = 	snop  }
0x6: {  	_ = 	snop  }
0x7: {  	_ = 	snop  }
__scs_overlays_trampoline_lowered:
0x8: {  	[smem:$0x3FAD] =	sst s0  }
0x9: {  	[smem:$0x3FAE] =	sst s1  }
0xa: {  	[smem:$0x3FAF] =	sst s2  }
0xb: {  	[smem:$0x3FB0] =	sst s3  }
0xc: {  	[smem:$0x3FB1] =	sst s4  }
0xd: {  	[smem:$0x3FB2] =	sst s5  }
0xe: {  	[smem:$0x3FB3] =	sst s6  }
0xf: {  	[smem:$0x3FB4] =	sst s7  }
0x10: {  	[smem:$0x3FB5] =	sst s8  }
0x11: {  	[smem:$0x3FB6] =	sst s9;
	s0 =	simm.s32 @!p0 $0x0  }
0x12: {  	s1 =	sld [smem:$0x3F9C];
	s0 =	simm.s32 @p0 $0x1  }
0x13: {  	[smem:$0x3FB7] =	sst s0;
	s0 =	simm.s32 @!p1 $0x0  }
0x14: {  	s2 =	sld [smem:$0x3F9B];
	s0 =	simm.s32 @p1 $0x1  }
0x15: {  	[smem:$0x3FB8] =	sst s0;
	s0 =	simm.s32 @!p2 $0x0  }
0x16: {  	s3 =	sld [smem:$0x3FDB];
	s0 =	simm.s32 @p2 $0x1  }
0x17: {  	s4 =	simm.s32 $0x1BF5;
	[smem:$0x3FBA] =	sst s0  }
0x18: {  	s0 =	sld [smem:$0x3F9D];
	_ =	swait.ge [sflag:s4], $0x0  }
0x19: {  	s7 =	sld [smem:$0x3F9E]  }
0x1a: {  	s8 =	sadd.s32 $0xFFFFE003, lr  }
0x1b: {  	s9 =	sadd.s32 $0xFFFFFEF7, lr;
	s5 =	simm.s32 $0xFFFFFFFF;
	p2 =	slt.u32 s8, $0xFFFFF086  }
0x1c: {  	p1 =	slt.u32 s9, $0xF7A;
	s5 =	simm.s32 @!p2 $0x0  }
0x1d: {  	s5 =	simm.s32 @p1 $0x1;
	p0 =	seq.s32 s7, s2  }
0x1e: {  	s7 =	smul.u32 @!p0 $0xF7A, s2;
	p2 =	seq.s32 @!p0 s5, $0x0  }
0x1f: {  	s9 =	smul.u32 $0xF7A, s1;
	s8 =	simm.s32 @!p0 $0x1BF5;
	p2 =	por !p2, p0  }
0x20: {  	[sflag:s8] =	ssyncset.s32 @!p0 $0xFFFFF086;
	s6 =	sadd.s32 @!p0 s3, s7;
	s7 =	simm.s32 @!p0 $0x108  }
0x21: {  	s3 =	sadd.s32 s3, s9;
	s6 =	sadd.s32 @!p0 $0x88, s6;
	s7 =	simm.s32 @p2 $0x1082  }
0x22: {  	[simem:s7], [sflag:s8] =	dma.local @!p0 [hbm:s6], $0xF7A  }
0x23: {  	s9 =	sor.u32 $0xD0000000, s2;
	s6 =	simm.s32 $0x108;
	_ =	swait.ge @!p0 [sflag:s8], $0x0  }
0x24: {  	s3 =	sadd.s32 $0x88, s3;
	s6 =	simm.s32 @!p1 $0x1082;
	[sflag:s4] =	ssyncset.s32 $0xFFFFF086  }
0x25: {  	[simem:s6], [sflag:s4] =	dma.local [hbm:s3], $0xF7A  }
0x26: {  	[smem:$0x3F9E] =	sst s1;
	(tag) =	ssettag s2;
	_ =	strace s9  }
0x27: {  	s1 =	sld [smem:$0x3FAE]  }
0x28: {  	s2 =	sld [smem:$0x3FAF]  }
0x29: {  	s4 =	sld [smem:$0x3FB1]  }
0x2a: {  	p0 =	seq.s32 s5, $0x0;
	s5 =	sld [smem:$0x3FB2]  }
0x2b: {  	s6 =	sld [smem:$0x3FB3]  }
0x2c: {  	s7 =	sld [smem:$0x3FB4]  }
0x2d: {  	s3 =	simm.s32 $0x108;
	s8 =	sld [smem:$0x3FB5]  }
0x2e: {  	s3 =	simm.s32 @!p0 $0x1082;
	s9 =	sld [smem:$0x3FB6]  }
0x2f: {  	lr =	sadd.s32 s0, s3;
	s0 =	sld [smem:$0x3FAD]  }
0x30: {  	s3 =	sld [smem:$0x3FB0]  }
0x31: {  	[smem:$0x3FB9] =	sst s10  }
0x32: {  	s10 =	sld [smem:$0x3FB7];
	_ =	sdelay $0x3  }
0x33: {  	p0 =	seq.s32 s10, $0x1;
	s10 =	sld [smem:$0x3FB9];
	_ =	sdelay $0x3  }
0x34: {  	[smem:$0x3FB9] =	sst s10  }
0x35: {  	s10 =	sld [smem:$0x3FB8];
	_ =	sdelay $0x3  }
0x36: {  	p1 =	seq.s32 s10, $0x1;
	s10 =	sld [smem:$0x3FB9];
	_ =	sdelay $0x3  }
0x37: {  	[smem:$0x3FB9] =	sst s10  }
0x38: {  	s10 =	sld [smem:$0x3FBA]  }
0x39: {  	_ = 	snop;
	(pc) =	sbr.ind lr, $3  }
0x3a: {  	_ = 	snop  }
0x3b: {  	_ = 	snop  }
0x3c: {  	p2 =	seq.s32 s10, $0x1;
	s10 =	sld [smem:$0x3FB9]  }
0x3d: {  	_ =	shalt  }
0x3e: {  	_ =	shalt  }
0x3f: {  	_ =	shalt  }
0x40: {  	_ =	shalt  }
0x41: {  	_ =	shalt  }
0x42: {  	_ =	shalt  }
0x43: {  	_ =	shalt  }
0x44: {  	_ =	shalt  }
0x45: {  	_ =	shalt  }
0x46: {  	_ =	shalt  }
0x47: {  	_ =	shalt  }
0x48: {  	_ =	shalt  }
0x49: {  	_ =	shalt  }
0x4a: {  	_ =	shalt  }
0x4b: {  	_ =	shalt  }
0x4c: {  	_ =	shalt  }
0x4d: {  	_ =	shalt  }
0x4e: {  	_ =	shalt  }
0x4f: {  	_ =	shalt  }
0x50: {  	_ =	shalt  }
0x51: {  	_ =	shalt  }
0x52: {  	_ =	shalt  }
0x53: {  	_ =	shalt  }
0x54: {  	_ =	shalt  }
0x55: {  	_ =	shalt  }
0x56: {  	_ =	shalt  }
0x57: {  	_ =	shalt  }
0x58: {  	_ =	shalt  }
0x59: {  	_ =	shalt  }
0x5a: {  	_ =	shalt  }
0x5b: {  	_ =	shalt  }
0x5c: {  	_ =	shalt  }
0x5d: {  	_ =	shalt  }
0x5e: {  	_ =	shalt  }
0x5f: {  	_ =	shalt  }
0x60: {  	_ =	shalt  }
0x61: {  	_ =	shalt  }
0x62: {  	_ =	shalt  }
0x63: {  	_ =	shalt  }
0x64: {  	_ =	shalt  }
0x65: {  	_ =	shalt  }
0x66: {  	_ =	shalt  }
0x67: {  	_ =	shalt  }
0x68: {  	_ =	shalt  }
0x69: {  	_ =	shalt  }
0x6a: {  	_ =	shalt  }
0x6b: {  	_ =	shalt  }
0x6c: {  	_ =	shalt  }
0x6d: {  	_ =	shalt  }
0x6e: {  	_ =	shalt  }
0x6f: {  	_ =	shalt  }
0x70: {  	_ =	shalt  }
0x71: {  	_ =	shalt  }
0x72: {  	_ =	shalt  }
0x73: {  	_ =	shalt  }
0x74: {  	_ =	shalt  }
0x75: {  	_ =	shalt  }
0x76: {  	_ =	shalt  }
0x77: {  	_ =	shalt  }
0x78: {  	_ =	shalt  }
0x79: {  	_ =	shalt  }
0x7a: {  	_ =	shalt  }
0x7b: {  	_ =	shalt  }
0x7c: {  	_ =	shalt  }
0x7d: {  	_ =	shalt  }
0x7e: {  	_ =	shalt  }
0x7f: {  	_ =	shalt  }
0x80: {  	_ =	shalt  }
0x81: {  	_ =	shalt  }
0x82: {  	_ =	shalt  }
0x83: {  	_ =	shalt  }
0x84: {  	_ =	shalt  }
0x85: {  	_ =	shalt  }
0x86: {  	_ =	shalt  }
0x87: {  	_ =	shalt  }
.Lfunc_end0:
.L_simem_size_0:
called_computation_lowered:
.L_overlay_start_0:
0x88: {  	s2 =	sld [smem:$0x3FD9]  }
0x89: {  	s3 =	sld [smem:$0x3FFE];
	_ =	sdelay $0x1  }
0x8a: {  	s1 =	srdreg.scid  }
0x8b: {  	s0 =	sand.u32 $0x1, s1  }
0x8c: {  	s17 =	sshll.u32 s0, $0xA;
	s2 =	sadd.s32 s3, s2  }
0x8d: {  	s2 =	sadd.s32 s2, s17  }
0x8e: {  	[smem:$0x3FC5] =	sst s2  }
0x8f: {  	_ = 	snop  }
0x90: {  	s2 =	sld [smem:$0x3FD0];
	(tm) =	ssettm $0x1  }
0x91: {  	s18 =	sld [smem:$0x3FFB];
	_ =	sdelay $0x3  }
0x92: {  	_ =	strace s18  }
0x93: {  	s3 =	sld [smem:$0x3FFC];
	_ =	sdelay $0x3  }
0x94: {  	_ =	strace s3  }
0x95: {  	s3 =	sld [smem:$0x3FFD];
	_ =	sdelay $0x3  }
0x96: {  	_ =	strace s3  }
0x97: {  	_ =	strace $0x8FFFFFFF  }
0x98: {  	s19 =	sld [smem:$0x3FDB];
	_ =	sdelay $0x1  }
0x99: {  	s4 =	simm.s32 $_scs_section_size  }
0x9a: {  	s5 =	simm.s32 $_size__tile_overlayer_lowered;
	s6 =	simm.s32 $_tile_overlayer_lowered  }
0x9b: {  	s22 =	simm.s32 $0x1BFF;
	s21 =	sshll.u32 s6, $0x1;
	s3 =	sadd.s32 s4, s19  }
0x9c: {  	s7 =	simm.s32 $0x0;
	s20 =	sshll.u32 s5, $0x1;
	s5 =	sadd.s32 s21, s3  }
0x9d: {  	[timem:s7], [sflag:s22] =	dma.local [hbm:s5], s20  }
0x9e: {  	_ =	swait.ge [sflag:s22], s20  }
0x9f: {  	s4 =	ssub.s32 $0x0, s20;
	[sflag:s22] =	ssyncset.done $0x0  }
0xa0: {  	[sflag:s22] =	ssyncadd.s32 s4;
	_ =	sdelay $0x1  }
0xa1: {  	s23 =	simm.s32 $0x1B8B  }
0xa2: {  	_ =	swait.ge [sflag:s23], $0x1  }
0xa3: {  	[sflag:s23] =	ssyncset.done $0x0  }
0xa4: {  	s25 =	simm.s32 $0x1B8E;
	s24 =	sld [smem:$0x3FFE];
	[sflag:s23] =	ssyncadd.s32 $0xFFFFFFFF  }
0xa5: {  	s26 =	simm.s32 $execute0_lowered;
	[smem:$0x3FD2] =	sst s25  }
0xa6: {  	s5 =	sshll.u32 s26, $0x1;
	_ =	strace $0x80000046;
	[dreg:$0x1] =	wrdreg $0xFFFFFFFF  }
0xa7: {  	s28 =	simm.s32 $_size_execute0_lowered;
	s3 =	sadd.s32 s3, s5;
	[dreg:$0x0] =	wrdreg $0x0  }
0xa8: {  	s5 =	sshll.u32 s28, $0x1;
	[dreg:$0x2] =	wrdreg s3  }
0xa9: {  	[dreg:$0x3] =	wrdreg s5  }
0xaa: {  	[dreg:$0x4] =	wrdreg $0xC0  }
0xab: {  	_ =	task [dreg:s7], $0x5FFFF  }
0xac: {  	[dreg:$0x1] =	wrdreg $0xFFFFFFFF  }
0xad: {  	[dreg:$0x0] =	wrdreg $0x60  }
0xae: {  	[dreg:$0x2] =	wrdreg s24  }
0xaf: {  	[dreg:$0x3] =	wrdreg s2  }
0xb0: {  	[dreg:$0x4] =	wrdreg $0xC5000  }
0xb1: {  	[dreg:$0x5] =	wrdreg $0x161400  }
0xb2: {  	[dreg:$0x6] =	wrdreg $0x9  }
0xb3: {  	_ =	task.clear_ibuf [dreg:s7], $0x7FFFF;
	_ =	strace $0x90000046  }
0xb4: {  	s29 =	simm.s32 $0x9;
	_ =	strace $0x80000048  }
0xb5: {  	_ =	swait.ge [sflag:s29], $0x1  }
0xb6: {  	[sflag:s29] =	ssyncadd.s32 $0xFFFFFFFF  }
0xb7: {  	_ =	strace $0x90000048  }
0xb8: {  	_ =	sfence  }
0xb9: {  	s30 =	sld [smem:$0x0];
	_ =	sdelay $0x2  }
0xba: {  	s31 =	sshll.u32 s1, $0xD;
	s1 =	sshrl.u32 s1, $0x2  }
0xbb: {  	s3 =	sand.u32 $0x4000, s31;
	s1 =	sadd.s32 s1, s30  }
0xbc: {  	s0 =	sor.u32 s3, s0;
	s1 =	sshll.u32 s1, $0x11  }
0xbd: {  	s0 =	sor.u32 s1, s0  }
0xbe: {  	s0 =	sadd.s32 $0x8F2B, s0  }
0xbf: {  	[sflag:s0] =	ssyncadd.remote.s32 $0x1  }
0xc0: {  	_ =	sfence.sel $0xFFFF  }
0xc1: {  	[dreg:$0x0] =	wrdreg $0xFFFFFFFF;
	(pc) =	sbr.abs _section_cstart, $3  }
0xc2: {  	[dreg:$0x1] =	wrdreg $0xFFFFFFFF  }
0xc3: {  	_ =	task.clear_ibuf [dreg:s7], $0x2FFFF;
	_ =	strace $0x9FFFFFFF  }
0xc4: {  	(tm) =	ssettm $0x7FFFFFFF  }
0xc5: {  	_ =	shalt  }
tec
execute0_lowered:
.L_overlay_start_1:
0x0: {  	(tag) =	ssettag $0x1  }
0x1: {  	s0 =	rddreg [dreg:$0x0]  }
0x2: {  	s1 =	rddreg [dreg:$0x1]  }
0x3: {  	s2 =	rddreg [dreg:$0x2]  }
0x4: {  	s3 =	rddreg [dreg:$0x3]  }
0x5: {  	s20 =	stileid.u32;
	s4 =	srdreg.scid  }
0x6: {  	s28 =	simm.s32 $0x500;
	s29 =	simm.s32 $0x3500;
	s5 =	smul.u32 $0x3480, s20  }
0x7: {  	s30 =	simm.s32 $0x1;
	s31 =	simm.s32 $0x400;
	s8 =	smul.u32 $0x9C00, s20  }
0x8: {  	s6 =	sand.u32 $0x1, s4;
	s4 =	simm.s32 $0x0;
	s10 =	smul.u32 $0x1380, s20  }
0x9: {  	s16 =	sadd.s32 $0x92400, s2;
	s12 =	sadd.s32 $0x12480, s0;
	s17 =	sadd.s32 $0x92400, s3  }
0xa: {  	s18 =	smul.u32 $0x27000, s20;
	s21 =	sadd.s32 $0x5A680, s0;
	s14 =	sadd.s32 $0x13A80, s0  }
0xb: {  	p0 =	seq.s32 s20, $0xF;
	s7 =	ssub.s32 $0x2, s6;
	[smem:$0x7FF] =	sst s4  }
0xc: {  	s23 =	smul.u32 $0x9C400, s6;
	s9 =	sshrl.u32 s7, $0x1;
	_ =	strace $0x80000047  }
0xd: {  	s5 =	sadd.s32 s5, s0;
	s11 =	sadd.s32 s8, s2;
	[dreg:$0x7] =	wrdreg s12  }
0xe: {  	s19 =	sadd.s32 s0, s10;
	s8 =	sadd.s32 s8, s3;
	[dreg:$0x8] =	wrdreg s21  }
0xf: {  	s12 =	sshll.u32 s6, $0x7;
	s24 =	sshrl.u32 s18, $0x2;
	s9 =	ssub.s32 s7, s9  }
0x10: {  	[dreg:$0x5] =	wrdreg s19;
	s7 =	sadd.s32 $0x48200, s19;
	s22 =	sadd.s32 $0x13A00, s5  }
0x11: {  	s19 =	smul.u32 $0x13880, s6;
	s5 =	sadd.s32 $0x13A40, s5;
	[dreg:$0x6] =	wrdreg s7  }
0x12: {  	s13 =	sadd.s32 $0x80, s12;
	s0 =	sadd.s32 s24, s3;
	[dreg:$0x9] =	wrdreg s22  }
0x13: {  	s24 =	simm.s32 $0x200;
	s7 =	smul.u32 $0xD2, s20;
	[dreg:$0xa] =	wrdreg s5  }
0x14: {  	s5 =	sshrl.u32 s23, $0x3;
	s26 =	smax.u32 s9, $0x1;
	s0 =	sshrl.u32 @!p0 s0, $0x3  }
0x15: {  	s9 =	simm.s32 $0x9500;
	s25 =	sadd.s32 s10, s19;
	[dreg:$0xd] =	wrdreg s26  }
0x16: {  	s19 =	sshrl.u32 @p0 s17, $0x3;
	[dreg:$0x12] =	wrdreg s0;
	s26 =	simm.s32 $0x60  }
0x17: {  	s0 =	simm.s32 $0x6500;
	s17 =	simm.s32 $0x0;
	s15 =	sor.u32 $0x1, s7  }
0x18: {  	s6 =	sadd.s32 s1, s25;
	s1 =	sadd.s32 s1, s5;
	[dreg:$0xf] =	wrdreg s19  }
.Ltmp0:
0x19: {  	[dreg:$0xb] =	wrdreg s6;
	s1 =	sadd.s32 $0x12480, s1;
	(pc) =	sbr.rel .LBB2_1-.Ltmp0, $4  }
0x1a: {  	s6 =	simm.s32 $0x4;
	[dreg:$0xc] =	wrdreg s1;
	s1 =	sshrl.u32 @p0 s16, $0x3  }
0x1b: {  	s16 =	simm.s32 $0x5;
	[dreg:$0xe] =	wrdreg s1;
	s1 =	sshrl.u32 @!p0 s11, $0x3  }
0x1c: {  	v0 =	vlaneseq.u32;
	s11 =	simm.s32 $0x6;
	[dreg:$0x10] =	wrdreg s1;
	s1 =	sshrl.u32 @!p0 s8, $0x3  }
0x1d: {  	v1 =	vor.u32 $0x10, v0;
	v2 =	vor.u32 $0x20, v0;
	v3 =	vor.u32 $0x30, v0;
	s8 =	simm.s32 $0x480;
	[dreg:$0x11] =	wrdreg s1;
	s1 =	simm.s32 $0x2  }
.LBB2_12:
0x1e: {  	s5 =	simm.s32 $0x3  }
0x1f: {  	_ =	swait.ge [sflag:s5], $0x3000  }
0x20: {  	[sflag:s5] =	ssyncset.done $0x0  }
0x21: {  	[sflag:s5] =	ssyncadd.s32 $0xFFFFD000  }
0x22: {  	_ =	swait.ge [sflag:s6], $0x3000  }
0x23: {  	[sflag:s6] =	ssyncset.done $0x0  }
0x24: {  	[sflag:s6] =	ssyncadd.s32 $0xFFFFD000  }
0x25: {  	[bflag:$0x0] =	sbarrier.arrive $0xFFFF  }
0x26: {  	s10 =	rddreg [dreg:$0xc]  }
0x27: {  	s5 =	simm.s32 @p0 $0x1FC7;
	s19 =	rddreg [dreg:$0xf]  }
0x28: {  	[hbm:s10], [sflag:s5] =	dma.local @p0 [spmem:s19], $0x1400  }
0x29: {  	s5 =	simm.s32 @p0 $0x7  }
0x2a: {  	_ =	swait.ge @p0 [sflag:s5], $0x1400  }
0x2b: {  	s10 =	rddreg [dreg:$0x12]  }
0x2c: {  	[sflag:s5] =	ssyncset.done @p0 $0x0;
	s18 =	rddreg [dreg:$0x13]  }
0x2d: {  	[sflag:s5] =	ssyncadd.s32 @p0 $0xFFFFEC00;
	s5 =	rddreg [dreg:$0xb]  }
0x2e: {  	[hbm:s5], [sflag:s18] =	dma.local @!p0 [spmem:s10], $0x1380  }
0x2f: {  	s5 =	simm.s32 @!p0 $0x7  }
0x30: {  	_ =	swait.ge @!p0 [sflag:s5], $0x1380  }
0x31: {  	s17 =	sadd.s32 $0x1, s17;
	s25 =	rddreg [dreg:$0xd]  }
0x32: {  	p1 =	sne.s32 s17, s25  }
.Ltmp1:
0x33: {  	_ = 	snop;
	(pc) =	sbr.rel @!p1 .LBB2_13-.Ltmp1, $3  }
0x34: {  	_ =	sdelay $0x1  }
0x35: {  	[sflag:s5] =	ssyncset.done @!p0 $0x0  }
0x36: {  	[sflag:s5] =	ssyncadd.s32 @!p0 $0xFFFFEC80  }
.LBB2_1:
0x37: {  	s10 =	rddreg [dreg:$0x7]  }
0x38: {  	s5 =	simm.s32 @p0 $0x1FC7;
	s18 =	rddreg [dreg:$0xe]  }
0x39: {  	[spmem:s18], [sflag:s5] =	dma.local @p0 [hbm:s10], $0x1400  }
0x3a: {  	s10 =	simm.s32 @p0 $0x7  }
0x3b: {  	_ =	swait.ge @p0 [sflag:s10], $0x1400  }
0x3c: {  	[sflag:s10] =	ssyncset.done @p0 $0x0  }
0x3d: {  	s18 =	rddreg [dreg:$0x8];
	[sflag:s10] =	ssyncadd.s32 @p0 $0xFFFFEC00  }
0x3e: {  	[spmem:s19], [sflag:s5] =	dma.local @p0 [hbm:s18], $0x1480  }
0x3f: {  	s5 =	stileid.u32  }
0x40: {  	_ =	swait.ge @p0 [sflag:s10], $0x1480;
	s5 =	sshll.u32 @!p0 s5, $0x6  }
0x41: {  	[sflag:s10] =	ssyncset.done @p0 $0x0;
	s19 =	sor.u32 @!p0 $0x1C07, s5;
	s5 =	rddreg [dreg:$0x5]  }
0x42: {  	[sflag:s10] =	ssyncadd.s32 @p0 $0xFFFFEB80;
	s10 =	rddreg [dreg:$0x10]  }
0x43: {  	[spmem:s10], [sflag:s19] =	dma.local @!p0 [hbm:s5], $0x1380  }
0x44: {  	s5 =	simm.s32 @!p0 $0x7  }
0x45: {  	_ =	swait.ge @!p0 [sflag:s5], $0x1380;
	[dreg:$0x13] =	wrdreg s19  }
0x46: {  	[sflag:s5] =	ssyncset.done @!p0 $0x0;
	s10 =	rddreg [dreg:$0x6]  }
0x47: {  	s18 =	rddreg [dreg:$0x11];
	[sflag:s5] =	ssyncadd.s32 @!p0 $0xFFFFEC80  }
0x48: {  	[spmem:s18], [sflag:s19] =	dma.local @!p0 [hbm:s10], $0x1380  }
0x49: {  	_ =	swait.ge @!p0 [sflag:s5], $0x1380  }
0x4a: {  	[sflag:s5] =	ssyncset.done @!p0 $0x0  }
0x4b: {  	[sflag:s5] =	ssyncadd.s32 @!p0 $0xFFFFEC80  }
0x4c: {  	[bflag:$0x0] =	sbarrier.arrive $0xFFFF  }
0x4d: {  	s23 =	simm.s32 $0x7;
	s22 =	rddreg [dreg:$0x9]  }
0x4e: {  	[tilespmem:s4], [sflag:$0x7] =	stream.linear.gather [hbm4b:s22+s4], $0x200, $0x38;
	[tilespmem:$0x1FDC0] =	vst v63  }
0x4f: {  	_ =	swait.ge [sflag:s23], $0x200  }
0x50: {  	[sflag:s23] =	ssyncset.done $0x0  }
0x51: {  	s25 =	rddreg [dreg:$0xa];
	[sflag:s23] =	ssyncadd.s32 $0xFFFFFE00  }
0x52: {  	[tilespmem:s24], [sflag:$0x7] =	stream.linear.gather [hbm4b:s25+s4], $0x200, $0x38;
	[tilespmem:$0x1FDC0] =	vst v63  }
0x53: {  	_ =	swait.ge [sflag:s23], $0x200  }
0x54: {  	[sflag:s23] =	ssyncset.done $0x0  }
0x55: {  	[sflag:s23] =	ssyncadd.s32 $0xFFFFFE00  }
0x56: {  	[tilespmem:s28], [sflag:$0x1] =	stream.indirect.gather [spmem:s2], $0x80, s4, s26, $0xb8;
	[tilespmem:$0x1FDC0] =	vst v63  }
0x57: {  	s19 =	simm.s32 $0x0  }
0x58: {  	[tilespmem:s29], [sflag:$0x2] =	stream.indirect.gather [spmem:s2], $0x80, s24, s26, $0xb8;
	[tilespmem:$0x1FDC0] =	vst v63  }
.LBB2_2:
0x59: {  	s5 =	simm.s32 $0x1  }
0x5a: {  	_ =	swait.ge [sflag:s30], $0x3000;
	s10 =	simm.s32 $0x3;
	v4 =	vmov s5  }
0x5b: {  	p1 =	seq.s32 s19, $0x0;
	[sflag:s30] =	ssyncset.done $0x0;
	v6 =	vmov s10;
	v5 =	vor.u32 $0x180, v4  }
0x5c: {  	s5 =	simm.s32 @!p1 $0x3;
	[sflag:s30] =	ssyncadd.s32 $0xFFFFD000;
	v7 =	vor.u32 $0x180, v6  }
0x5d: {  	_ =	swait.ge @!p1 [sflag:s5], $0x3000  }
0x5e: {  	[sflag:s5] =	ssyncset.done @!p1 $0x0  }
0x5f: {  	s18 =	simm.s32 $0x0;
	[sflag:s5] =	ssyncadd.s32 @!p1 $0xFFFFD000  }
0x60: {  	s20 =	simm.s32 $0x2;
	v8 =	vmov s18;
	v5 =	vld.idx.msk [tilespmem:v5+s4+$0x0], $0xffff  }
0x61: {  	v9 =	vmov s20;
	v10 =	vor.u32 $0x180, v8;
	v7 =	vld.idx.msk [tilespmem:v7+s4+$0x0], $0xffff  }
0x62: {  	v11 =	vor.u32 $0x180, v9;
	_ =	sdelay $0x1  }
0x63: {  	s21 =	simm.s32 $0x5;
	s22 =	simm.s32 $0x6  }
0x64: {  	v19 =	vmov s21;
	v25 =	vmov s22;
	v12 =	vshll.u32 v5, $0x6  }
0x65: {  	v4 =	vshll.u32 v4, $0x7;
	v14 =	vld.idx.msk [tilespmem:v10+s4+$0x0], $0xffff;
	v17 =	vand.u32 $0xFFFFFFFE, v7;
	v12 =	vand.u32 $0x40, v12  }
0x66: {  	s23 =	simm.s32 $0x7;
	v11 =	vld.idx.msk [tilespmem:v11+s4+$0x0], $0xffff;
	v4 =	vor.u32 v4, v12;
	v12 =	vshll.u32 v7, $0x6;
	v7 =	vor.u32 $0x180, v19  }
0x67: {  	v28 =	vmov s23;
	v6 =	vshll.u32 v6, $0x7;
	v10 =	vor.u32 v0, v4  }
0x68: {  	s18 =	simm.s32 $0x9;
	s20 =	simm.s32 $0xA;
	v8 =	vshll.u32 v8, $0x7;
	v9 =	vshll.u32 v9, $0x7;
	v12 =	vand.u32 $0x40, v12  }
0x69: {  	v49 =	vmov s18;
	v40 =	vmov s20;
	v6 =	vor.u32 v6, v12  }
0x6a: {  	v41 =	vor.u32 $0x180, v49;
	v12 =	vshll.u32 v14, $0x6;
	v15 =	vor.u32 v0, v6  }
0x6b: {  	v42 =	vor.u32 $0x180, v40;
	v13 =	vshll.u32 v11, $0x6;
	v12 =	vand.u32 $0x40, v12;
	v7 =	vld.idx.msk [tilespmem:v7+s4+$0x0], $0xffff  }
0x6c: {  	v27 =	vand.u32 $0xFFFFFFFE, v5;
	v13 =	vand.u32 $0x40, v13;
	v8 =	vor.u32 v8, v12;
	v10 =	vld.idx.msk [tilespmem:v10+s28+$0x0], $0xffff  }
0x6d: {  	v11 =	vand.u32 $0xFFFFFFFE, v11;
	v12 =	vor.u32 v9, v13;
	v9 =	vor.u32 v0, v8  }
0x6e: {  	v19 =	vshll.u32 v19, $0x7;
	v5 =	vor.u32 v1, v4;
	v24 =	vor.u32 v2, v4  }
0x6f: {  	v18 =	vor.u32 v2, v6;
	v29 =	vor.u32 v1, v6;
	v16 =	vor.u32 v0, v12;
	v15 =	vld.idx.msk [tilespmem:v15+s28+$0x0], $0xffff  }
0x70: {  	v13 =	vor.u32 v3, v4;
	v23 =	vor.u32 v3, v12;
	v22 =	vor.u32 v3, v8  }
0x71: {  	v32 =	vshll.u32 v7, $0x6;
	v7 =	vand.u32 $0xFFFFFFFE, v7;
	v20 =	vunpack.i.l.bf16.f32 v10  }
0x72: {  	v4 =	vld.idx.msk [tilespmem:v9+s28+$0x0], $0xffff;
	v21 =	vunpack.i.u.bf16.f32 v10;
	v10 =	vor.u32 v2, v12;
	v20 =	vmul.f32 v27, v20  }
0x73: {  	s25 =	simm.s32 $0x6600;
	v32 =	vand.u32 $0x40, v32;
	v9 =	vmul.f32 v27, v21;
	v21 =	vor.u32 $0x180, v25  }
0x74: {  	v16 =	vld.idx.msk [tilespmem:v16+s28+$0x0], $0xffff;
	v19 =	vor.u32 v19, v32;
	v26 =	vunpack.i.u.bf16.f32 v15;
	v15 =	vunpack.i.l.bf16.f32 v15;
	[tilespmem:s25+$0xFFFFFF80] =	vst v20  }
0x75: {  	v32 =	vor.u32 v0, v19;
	[tilespmem:s25+$0xFFFFFF90] =	vst v9;
	v9 =	vand.u32 $0xFFFFFFFE, v14;
	v14 =	vmul.f32 v17, v15  }
0x76: {  	v12 =	vor.u32 v1, v12;
	v15 =	vor.u32 $0x180, v28;
	v26 =	vmul.f32 v17, v26;
	v5 =	vld.idx.msk [tilespmem:v5+s28+$0x0], $0xffff  }
0x77: {  	v37 =	vor.u32 v1, v19;
	v20 =	vor.u32 v1, v8;
	v30 =	vunpack.i.u.bf16.f32 v4;
	[tilespmem:s25+$0x80] =	vst v14  }
0x78: {  	s10 =	simm.s32 $0x4;
	v28 =	vshll.u32 v28, $0x7;
	v4 =	vunpack.i.l.bf16.f32 v4;
	v14 =	vmul.f32 v9, v30;
	[tilespmem:s25+$0x90] =	vst v26;
	v21 =	vld.idx.msk [tilespmem:v21+s4+$0x0], $0xffff  }
0x79: {  	v30 =	vunpack.i.l.bf16.f32 v16;
	v16 =	vunpack.i.u.bf16.f32 v16;
	v26 =	vmov s10;
	v29 =	vld.idx.msk [tilespmem:v29+s28+$0x0], $0xffff  }
0x7a: {  	v4 =	vmul.f32 v9, v4;
	v31 =	vor.u32 $0x180, v26;
	v16 =	vmul.f32 v11, v16;
	v32 =	vld.idx.msk [tilespmem:v32+s28+$0x0], $0xffff  }
0x7b: {  	v30 =	vmul.f32 v11, v30;
	v26 =	vshll.u32 v26, $0x7;
	[tilespmem:s25+$0xFFFFFF10] =	vst v14;
	v15 =	vld.idx.msk [tilespmem:v15+s4+$0x0], $0xffff;
	v33 =	vunpack.i.l.bf16.f32 v5  }
0x7c: {  	[tilespmem:s25+$0x10] =	vst v16;
	v16 =	vunpack.i.u.bf16.f32 v5;
	v5 =	vor.u32 v3, v19;
	v19 =	vor.u32 v2, v19  }
0x7d: {  	[tilespmem:s25+$0xFFFFFF00] =	vst v4;
	v33 =	vmul.f32 v27, v33;
	v16 =	vmul.f32 v27, v16;
	v14 =	vshll.u32 v21, $0x6  }
0x7e: {  	v20 =	vld.idx.msk [tilespmem:v20+s28+$0x0], $0xffff;
	[tilespmem:s25+$0x0] =	vst v30;
	v34 =	vunpack.i.l.bf16.f32 v29;
	v29 =	vunpack.i.u.bf16.f32 v29;
	v4 =	vand.u32 $0x40, v14  }
0x7f: {  	v47 =	vld.idx.msk [tilespmem:v12+s28+$0x0], $0xffff;
	v14 =	vshll.u32 v25, $0x7;
	[tilespmem:s25+$0xFFFFFFB0] =	vst v16;
	v16 =	vmul.f32 v17, v34;
	v30 =	vmul.f32 v17, v29  }
0x80: {  	v38 =	vunpack.i.l.bf16.f32 v32;
	v32 =	vunpack.i.u.bf16.f32 v32;
	v25 =	vshll.u32 v15, $0x6  }
0x81: {  	v31 =	vld.idx.msk [tilespmem:v31+s4+$0x0], $0xffff;
	v14 =	vor.u32 v14, v4;
	v12 =	vand.u32 $0xFFFFFFFE, v15;
	v38 =	vmul.f32 v7, v38  }
0x82: {  	[tilespmem:s25+$0xFFFFFFA0] =	vst v33;
	v32 =	vmul.f32 v7, v32;
	v46 =	vor.u32 v0, v14;
	v4 =	vor.u32 v3, v14  }
0x83: {  	v25 =	vand.u32 $0x40, v25;
	[tilespmem:s25+$0xA0] =	vst v16;
	v16 =	vunpack.i.u.bf16.f32 v20;
	v20 =	vunpack.i.l.bf16.f32 v20  }
0x84: {  	v24 =	vld.idx.msk [tilespmem:v24+s28+$0x0], $0xffff;
	[tilespmem:s25+$0xB0] =	vst v30;
	v36 =	vunpack.i.u.bf16.f32 v47;
	v56 =	vor.u32 v1, v14;
	v25 =	vor.u32 v28, v25  }
0x85: {  	s22 =	simm.s32 $0x6800;
	v28 =	vor.u32 v2, v8;
	v15 =	vld.idx.msk [tilespmem:v18+s28+$0x0], $0xffff;
	v18 =	vor.u32 v3, v6;
	v6 =	vunpack.i.l.bf16.f32 v47  }
0x86: {  	v20 =	vmul.f32 v9, v20;
	v16 =	vmul.f32 v9, v16;
	[tilespmem:s22+$0xFFFFFF80] =	vst v38;
	v8 =	vshll.u32 v31, $0x6  }
0x87: {  	[tilespmem:s22+$0xFFFFFF90] =	vst v32;
	v36 =	vmul.f32 v11, v36;
	v35 =	vor.u32 v0, v25;
	v8 =	vand.u32 $0x40, v8  }
0x88: {  	v29 =	vor.u32 v2, v25;
	v6 =	vmul.f32 v11, v6;
	[tilespmem:s25+$0xFFFFFF30] =	vst v16;
	v30 =	vor.u32 v26, v8  }
0x89: {  	v32 =	vld.idx.msk [tilespmem:v37+s28+$0x0], $0xffff;
	[tilespmem:s25+$0x30] =	vst v36;
	v26 =	vunpack.i.u.bf16.f32 v24;
	v24 =	vunpack.i.l.bf16.f32 v24;
	v8 =	vor.u32 v3, v30  }
0x8a: {  	[tilespmem:s25+$0xFFFFFF20] =	vst v20;
	v48 =	vor.u32 v0, v30;
	v20 =	vmul.f32 v27, v26;
	v39 =	vunpack.i.l.bf16.f32 v15  }
0x8b: {  	[tilespmem:s25+$0x20] =	vst v6;
	v33 =	vld.idx.msk [tilespmem:v46+s28+$0x0], $0xffff;
	v50 =	vunpack.i.u.bf16.f32 v15;
	v15 =	vor.u32 v2, v14;
	v14 =	vmul.f32 v27, v24  }
0x8c: {  	s23 =	simm.s32 $0x8;
	v43 =	vor.u32 v1, v30;
	v54 =	vld.idx.msk [tilespmem:v10+s28+$0x0], $0xffff;
	v10 =	vand.u32 $0xFFFFFFFE, v21;
	v6 =	vmul.f32 v17, v39;
	[tilespmem:s25+$0xFFFFFFD0] =	vst v20  }
0x8d: {  	v21 =	vshll.u32 v49, $0x7;
	v24 =	vmov s23;
	v35 =	vld.idx.msk [tilespmem:v35+s28+$0x0], $0xffff;
	v38 =	vmul.f32 v17, v50;
	[tilespmem:s25+$0xFFFFFFC0] =	vst v14  }
0x8e: {  	s21 =	simm.s32 $0xB;
	v28 =	vld.idx.msk [tilespmem:v28+s28+$0x0], $0xffff;
	v57 =	vor.u32 $0x180, v24;
	v20 =	vshll.u32 v40, $0x7;
	v14 =	vunpack.i.l.bf16.f32 v32;
	[tilespmem:s25+$0xC0] =	vst v6  }
0x8f: {  	v32 =	vunpack.i.u.bf16.f32 v32;
	v6 =	vand.u32 $0xFFFFFFFE, v31;
	v31 =	vmov s21;
	[tilespmem:s25+$0xD0] =	vst v38;
	v34 =	vld.idx.msk [tilespmem:v48+s28+$0x0], $0xffff  }
0x90: {  	v52 =	vor.u32 $0x180, v31;
	v38 =	vld.idx.msk [tilespmem:v18+s28+$0x0], $0xffff;
	v18 =	vor.u32 v1, v25;
	v55 =	vunpack.i.l.bf16.f32 v33  }
0x91: {  	v41 =	vld.idx.msk [tilespmem:v41+s4+$0x0], $0xffff;
	v47 =	vunpack.i.l.bf16.f32 v54;
	v48 =	vmul.f32 v7, v14;
	v14 =	vunpack.i.u.bf16.f32 v54  }
0x92: {  	v49 =	vshll.u32 v31, $0x7;
	v44 =	vunpack.i.u.bf16.f32 v35;
	v35 =	vunpack.i.l.bf16.f32 v35  }
0x93: {  	v58 =	vunpack.i.u.bf16.f32 v28;
	v59 =	vmul.f32 v11, v47;
	v47 =	vld.idx.msk [tilespmem:v13+s28+$0x0], $0xffff;
	v16 =	vmul.f32 v12, v35  }
0x94: {  	v28 =	vunpack.i.l.bf16.f32 v28;
	v60 =	vmul.f32 v11, v14;
	v51 =	vmul.f32 v12, v44  }
0x95: {  	v53 =	vunpack.i.u.bf16.f32 v34;
	v26 =	vunpack.i.l.bf16.f32 v34;
	[tilespmem:s22+$0x80] =	vst v16;
	v16 =	vunpack.i.u.bf16.f32 v33  }
0x96: {  	[tilespmem:s22+$0xFFFFFFA0] =	vst v48;
	v33 =	vor.u32 v3, v25;
	v25 =	vand.u32 $0xFFFFFFFE, v41;
	v36 =	vmul.f32 v6, v53  }
0x97: {  	[tilespmem:s22+$0x90] =	vst v51;
	v37 =	vld.idx.msk [tilespmem:v52+s4+$0x0], $0xffff;
	v45 =	vmul.f32 v6, v26;
	v26 =	vunpack.i.u.bf16.f32 v38;
	v16 =	vmul.f32 v10, v16  }
0x98: {  	[tilespmem:s25+$0x50] =	vst v60;
	v35 =	vld.idx.msk [tilespmem:v18+s28+$0x0], $0xffff;
	v18 =	vshll.u32 v41, $0x6;
	v38 =	vunpack.i.l.bf16.f32 v38;
	v63 =	vunpack.i.u.bf16.f32 v47  }
0x99: {  	v53 =	vmul.f32 v9, v28;
	v28 =	vor.u32 v2, v30;
	v26 =	vmul.f32 v17, v26;
	[tilespmem:s22+$0x10] =	vst v16  }
0x9a: {  	v46 =	vand.u32 $0x40, v18;
	v18 =	vld.idx.msk [tilespmem:v42+s4+$0x0], $0xffff;
	v42 =	vmul.f32 v9, v58;
	v60 =	vmul.f32 v17, v38;
	[tilespmem:s22+$0xFFFFFF10] =	vst v36  }
0x9b: {  	v21 =	vor.u32 v21, v46;
	v16 =	vmul.f32 v10, v55;
	[tilespmem:s22+$0xFFFFFF00] =	vst v45;
	v55 =	vshll.u32 v24, $0x7  }
0x9c: {  	v13 =	vor.u32 v3, v21;
	[tilespmem:s25+$0xF0] =	vst v26;
	v46 =	vor.u32 v0, v21;
	v26 =	vld.idx.msk [tilespmem:v57+s4+$0x0], $0xffff;
	v61 =	vshll.u32 v37, $0x6  }
0x9d: {  	v62 =	vld.idx.msk [tilespmem:v43+s28+$0x0], $0xffff;
	[tilespmem:s22+$0x0] =	vst v16;
	v16 =	vmul.f32 v7, v32;
	v32 =	vmul.f32 v27, v63;
	v50 =	vunpack.i.l.bf16.f32 v35  }
0x9e: {  	[tilespmem:s25+$0x40] =	vst v59;
	v35 =	vunpack.i.u.bf16.f32 v35;
	v36 =	vand.u32 $0x40, v61;
	v61 =	vunpack.i.l.bf16.f32 v47  }
0x9f: {  	v54 =	vld.idx.msk [tilespmem:v56+s28+$0x0], $0xffff;
	v14 =	vshll.u32 v18, $0x6;
	v52 =	vmul.f32 v12, v50;
	v35 =	vmul.f32 v12, v35;
	[tilespmem:s22+$0xFFFFFFB0] =	vst v16  }
0xa0: {  	[tilespmem:s25+$0xFFFFFF40] =	vst v53;
	v16 =	vor.u32 v49, v36;
	v36 =	vor.u32 v1, v21;
	v14 =	vand.u32 $0x40, v14;
	v30 =	vld.idx.msk [tilespmem:v19+s28+$0x0], $0xffff  }
0xa1: {  	v56 =	vor.u32 v0, v16;
	v19 =	vor.u32 v2, v16;
	v20 =	vor.u32 v20, v14;
	[tilespmem:s22+$0xA0] =	vst v52  }
0xa2: {  	v24 =	vshll.u32 v26, $0x6;
	v58 =	vunpack.i.u.bf16.f32 v62;
	v59 =	vunpack.i.l.bf16.f32 v62;
	v46 =	vld.idx.msk [tilespmem:v46+s28+$0x0], $0xffff;
	[tilespmem:s22+$0xB0] =	vst v35  }
0xa3: {  	v62 =	vmul.f32 v27, v61;
	v31 =	vor.u32 v0, v20;
	v14 =	vor.u32 v3, v20;
	v39 =	vld.idx.msk [tilespmem:v29+s28+$0x0], $0xffff  }
0xa4: {  	[tilespmem:s25+$0xFFFFFF50] =	vst v42;
	v35 =	vld.idx.msk [tilespmem:v23+s28+$0x0], $0xffff;
	v57 =	vand.u32 $0x40, v24;
	v24 =	vand.u32 $0xFFFFFFFE, v37;
	v40 =	vmul.f32 v6, v59  }
0xa5: {  	[tilespmem:s25+$0xE0] =	vst v60;
	v37 =	vld.idx.msk [tilespmem:v22+s28+$0x0], $0xffff;
	v17 =	vor.u32 v55, v57;
	v38 =	vunpack.i.u.bf16.f32 v54;
	v23 =	vunpack.i.l.bf16.f32 v54  }
0xa6: {  	[tilespmem:s25+$0xFFFFFFF0] =	vst v32;
	v29 =	vor.u32 v3, v17;
	v27 =	vor.u32 v0, v17;
	v63 =	vmul.f32 v10, v23  }
0xa7: {  	[tilespmem:s25+$0xFFFFFFE0] =	vst v62;
	v23 =	vmul.f32 v6, v58;
	v34 =	vunpack.i.u.bf16.f32 v30;
	v22 =	vunpack.i.l.bf16.f32 v46  }
0xa8: {  	s5 =	simm.s32 $0x6A00;
	s10 =	simm.s32 $0xC;
	s21 =	sshll.u32 s19, $0x1;
	v41 =	vld.idx.msk [tilespmem:v56+s28+$0x0], $0xffff;
	v42 =	vunpack.i.u.bf16.f32 v46;
	[tilespmem:s22+$0x20] =	vst v63;
	v43 =	vmul.f32 v25, v22;
	v44 =	vunpack.i.l.bf16.f32 v39  }
.LBB2_3:
0xa9: {  	s20 =	sadd.s32 $0x1, s10;
	s23 =	sadd.s32 $0x2, s10;
	s18 =	sadd.s32 $0x3, s10;
	v32 =	vor.u32 v2, v21;
	v21 =	vor.u32 v2, v20;
	v44 =	vmul.f32 v12, v44;
	v22 =	vmovc v24  }
0xaa: {  	p2 =	slt.u32 s10, $0x5C;
	v46 =	vunpack.i.l.bf16.f32 v37;
	v45 =	vmov s20;
	v24 =	vmov s23;
	[tilespmem:s22+$0xFFFFFF30] =	vst v23;
	v23 =	vmovc v8;
	v8 =	vmovc v29;
	s20 =	smov.u32 s10;
	s10 =	sadd.s32 $0x4, s10  }
0xab: {  	v39 =	vunpack.i.u.bf16.f32 v39;
	v29 =	vor.u32 $0x180, v45;
	v47 =	vor.u32 $0x180, v24;
	v48 =	vld.idx.msk [tilespmem:v27+s28+$0x0], $0xffff;
	[tilespmem:s5+$0xFFFFFF80] =	vst v43;
	v27 =	vmovc v7;
	v7 =	vmovc v25  }
0xac: {  	v39 =	vmul.f32 v12, v39;
	v43 =	vor.u32 v1, v17;
	v25 =	vmul.f32 v7, v42;
	[tilespmem:s22+$0xC0] =	vst v44  }
0xad: {  	v37 =	vunpack.i.u.bf16.f32 v37;
	v42 =	vunpack.i.u.bf16.f32 v41;
	v41 =	vunpack.i.l.bf16.f32 v41;
	v31 =	vld.idx.msk [tilespmem:v31+s28+$0x0], $0xffff;
	[tilespmem:s22+$0xFFFFFF20] =	vst v40  }
0xae: {  	v26 =	vand.u32 $0xFFFFFFFE, v26;
	v40 =	vmul.f32 v9, v46;
	[tilespmem:s5+$0xFFFFFF90] =	vst v25;
	v25 =	vmul.f32 v22, v41  }
0xaf: {  	v38 =	vmul.f32 v10, v38;
	v42 =	vmul.f32 v22, v42;
	v41 =	vmov s18;
	v36 =	vld.idx.msk [tilespmem:v36+s28+$0x0], $0xffff;
	[tilespmem:s22+$0xD0] =	vst v39  }
0xb0: {  	v44 =	vor.u32 v1, v16;
	v46 =	vunpack.i.l.bf16.f32 v35;
	v39 =	vor.u32 $0x180, v41;
	[tilespmem:s5+$0x80] =	vst v25;
	v33 =	vld.idx.msk [tilespmem:v33+s28+$0x0], $0xffff  }
0xb1: {  	v25 =	vld.idx.msk [tilespmem:v29+s4+$0x0], $0xffff;
	v29 =	vunpack.i.l.bf16.f32 v30;
	v30 =	vmul.f32 v27, v34;
	[tilespmem:s22+$0x30] =	vst v38;
	v34 =	vunpack.i.u.bf16.f32 v35  }
0xb2: {  	v35 =	vunpack.i.u.bf16.f32 v48;
	v38 =	vunpack.i.l.bf16.f32 v48;
	[tilespmem:s5+$0x90] =	vst v42;
	v42 =	vld.idx.msk [tilespmem:v15+s28+$0x0], $0xffff;
	v34 =	vmul.f32 v11, v34;
	v15 =	vmovc v21  }
0xb3: {  	v46 =	vmul.f32 v11, v46;
	v35 =	vmul.f32 v26, v35;
	v48 =	vunpack.i.l.bf16.f32 v31;
	v21 =	vld.idx.msk [tilespmem:v28+s28+$0x0], $0xffff;
	[tilespmem:s25+$0xFFFFFF60] =	vst v40  }
0xb4: {  	v18 =	vand.u32 $0xFFFFFFFE, v18;
	v37 =	vmul.f32 v9, v37;
	v9 =	vmovc v6;
	v28 =	vmul.f32 v26, v38;
	[tilespmem:s25+$0x70] =	vst v34  }
0xb5: {  	v6 =	vmovc v26;
	v31 =	vunpack.i.u.bf16.f32 v31;
	v34 =	vor.u32 v1, v20;
	v20 =	vmul.f32 v27, v29;
	[tilespmem:s25+$0x60] =	vst v46  }
0xb6: {  	v11 =	vmovc v10;
	v10 =	vmovc v18;
	v26 =	vshll.u32 v45, $0x7;
	v29 =	vmov s20;
	v40 =	vunpack.i.u.bf16.f32 v33;
	v38 =	vld.idx.msk [tilespmem:v44+s28+$0x0], $0xffff  }
0xb7: {  	v44 =	vor.u32 $0x180, v29;
	v18 =	vshll.u32 v25, $0x6;
	v40 =	vmul.f32 v12, v40;
	v39 =	vld.idx.msk [tilespmem:v39+s4+$0x0], $0xffff;
	[tilespmem:s25+$0xFFFFFF70] =	vst v37;
	s25 =	smov.u32 s22;
	s22 =	smov.u32 s5  }
0xb8: {  	v31 =	vmul.f32 v10, v31;
	v37 =	vand.u32 $0x40, v18;
	v18 =	vld.idx.msk [tilespmem:v47+s4+$0x0], $0xffff;
	[tilespmem:s25+$0xFFFFFFC0] =	vst v20;
	v20 =	vunpack.i.l.bf16.f32 v42  }
0xb9: {  	v45 =	vunpack.i.l.bf16.f32 v36;
	v46 =	vunpack.i.u.bf16.f32 v21;
	v47 =	vunpack.i.l.bf16.f32 v21;
	[tilespmem:s25+$0xFFFFFFD0] =	vst v30  }
0xba: {  	v30 =	vmul.f32 v7, v45;
	[tilespmem:s5+$0x10] =	vst v31;
	v45 =	vld.idx.msk [tilespmem:v5+s28+$0x0], $0xffff;
	v31 =	vunpack.i.u.bf16.f32 v42;
	v42 =	vmul.f32 v11, v20  }
0xbb: {  	v36 =	vunpack.i.u.bf16.f32 v36;
	v21 =	vor.u32 v26, v37;
	v37 =	vunpack.i.l.bf16.f32 v33;
	v5 =	vmovc v13;
	[tilespmem:s25+$0xF0] =	vst v40  }
0xbc: {  	v13 =	vor.u32 v3, v21;
	v20 =	vmul.f32 v10, v48;
	v33 =	vmul.f32 v11, v31;
	v26 =	vld.idx.msk [tilespmem:v44+s4+$0x0], $0xffff  }
0xbd: {  	v41 =	vshll.u32 v41, $0x7;
	v40 =	vor.u32 v0, v21;
	[tilespmem:s5+$0xFFFFFF10] =	vst v35;
	v35 =	vmul.f32 v9, v46  }
0xbe: {  	v44 =	vshll.u32 v39, $0x6;
	v31 =	vshll.u32 v18, $0x6;
	[tilespmem:s5+$0xFFFFFF00] =	vst v28;
	v28 =	vunpack.i.l.bf16.f32 v38  }
0xbf: {  	v24 =	vshll.u32 v24, $0x7;
	v31 =	vand.u32 $0x40, v31;
	v38 =	vunpack.i.u.bf16.f32 v38;
	v43 =	vld.idx.msk [tilespmem:v43+s28+$0x0], $0xffff;
	[tilespmem:s5+$0x0] =	vst v20  }
0xc0: {  	v20 =	vor.u32 v24, v31;
	v24 =	vmul.f32 v7, v36;
	v36 =	vld.idx.msk [tilespmem:v34+s28+$0x0], $0xffff;
	v34 =	vunpack.i.u.bf16.f32 v45;
	[tilespmem:s25+$0x40] =	vst v42  }
0xc1: {  	v46 =	vmul.f32 v22, v28;
	v31 =	vor.u32 v0, v20;
	v42 =	vor.u32 v3, v20;
	[tilespmem:s5+$0xFFFFFFA0] =	vst v30  }
0xc2: {  	v28 =	vand.u32 $0x40, v44;
	v40 =	vld.idx.msk [tilespmem:v40+s28+$0x0], $0xffff;
	[tilespmem:s5+$0xFFFFFFB0] =	vst v24;
	v24 =	vmul.f32 v22, v38;
	v38 =	vmul.f32 v9, v47  }
0xc3: {  	v29 =	vshll.u32 v29, $0x7;
	v41 =	vor.u32 v41, v28;
	v28 =	vor.u32 v2, v17;
	v30 =	vld.idx.msk [tilespmem:v32+s28+$0x0], $0xffff;
	[tilespmem:s25+$0x50] =	vst v33  }
0xc4: {  	v17 =	vshll.u32 v26, $0x6;
	v44 =	vor.u32 v2, v41;
	v32 =	vor.u32 v0, v41;
	[tilespmem:s5+$0xA0] =	vst v46  }
0xc5: {  	v17 =	vand.u32 $0x40, v17;
	v46 =	vunpack.i.u.bf16.f32 v43;
	v43 =	vunpack.i.l.bf16.f32 v43;
	[tilespmem:s5+$0xB0] =	vst v24  }
0xc6: {  	v12 =	vmul.f32 v12, v37;
	v33 =	vor.u32 v3, v16;
	v24 =	vand.u32 $0xFFFFFFFE, v39;
	v39 =	vld.idx.msk [tilespmem:v19+s28+$0x0], $0xffff;
	[tilespmem:s25+$0xFFFFFF40] =	vst v38  }
0xc7: {  	v47 =	vunpack.i.l.bf16.f32 v45;
	v17 =	vor.u32 v29, v17;
	v19 =	vmul.f32 v27, v34;
	[tilespmem:s25+$0xFFFFFF50] =	vst v35;
	v35 =	vld.idx.msk [tilespmem:v4+s28+$0x0], $0xffff  }
.Ltmp2:
0xc8: {  	v25 =	vand.u32 $0xFFFFFFFE, v25;
	v29 =	vor.u32 v3, v17;
	v4 =	vmovc v14;
	v37 =	vld.idx.msk [tilespmem:v23+s28+$0x0], $0xffff;
	v23 =	vmul.f32 v27, v47;
	(pc) =	sbr.rel @p2 .LBB2_3-.Ltmp2, $4  }
0xc9: {  	v16 =	vmovc v41;
	v45 =	vunpack.i.l.bf16.f32 v36;
	s5 =	sadd.s32 $0x200, s5;
	v38 =	vunpack.i.u.bf16.f32 v36;
	v14 =	vmovc v42;
	v34 =	vunpack.i.u.bf16.f32 v30;
	[tilespmem:s25+$0xE0] =	vst v12  }
0xca: {  	v36 =	vor.u32 v1, v21;
	v45 =	vmul.f32 v10, v45;
	v27 =	vor.u32 v0, v17;
	[tilespmem:s25+$0xFFFFFFE0] =	vst v23  }
0xcb: {  	v42 =	vunpack.i.u.bf16.f32 v40;
	v23 =	vunpack.i.l.bf16.f32 v40;
	v40 =	vmul.f32 v6, v43;
	v41 =	vld.idx.msk [tilespmem:v32+s28+$0x0], $0xffff;
	[tilespmem:s25+$0xFFFFFFF0] =	vst v19;
	v19 =	vmovc v44  }
0xcc: {  	v12 =	vmovc v22;
	v43 =	vmul.f32 v25, v23;
	v23 =	vmul.f32 v6, v46;
	v44 =	vunpack.i.l.bf16.f32 v39;
	[tilespmem:s22+$0x20] =	vst v45  }
0xcd: {  	[tilespmem:s22+$0xFFFFFF20] =	vst v40  }
0xce: {  	v22 =	vmul.f32 v12, v44;
	[tilespmem:s22+$0xFFFFFF30] =	vst v23  }
0xcf: {  	v32 =	vmul.f32 v25, v42;
	[tilespmem:s5+$0xFFFFFF80] =	vst v43  }
0xd0: {  	v38 =	vmul.f32 v10, v38;
	[tilespmem:s22+$0xC0] =	vst v22  }
0xd1: {  	v60 =	vunpack.i.u.bf16.f32 v39;
	v49 =	vmul.f32 v7, v34;
	[tilespmem:s5+$0xFFFFFF90] =	vst v32  }
0xd2: {  	v44 =	vunpack.i.u.bf16.f32 v37;
	v61 =	vmul.f32 v12, v60;
	[tilespmem:s22+$0x30] =	vst v38  }
0xd3: {  	v40 =	vunpack.i.l.bf16.f32 v37;
	v47 =	vmul.f32 v9, v44;
	[tilespmem:s22+$0xFFFFFFD0] =	vst v49  }
0xd4: {  	v27 =	vld.idx.msk [tilespmem:v27+s28+$0x0], $0xffff;
	v43 =	vunpack.i.l.bf16.f32 v35;
	v22 =	vmul.f32 v9, v40;
	[tilespmem:s22+$0xD0] =	vst v61  }
0xd5: {  	v42 =	vunpack.i.u.bf16.f32 v35;
	v45 =	vmul.f32 v11, v43;
	[tilespmem:s25+$0xFFFFFF70] =	vst v47  }
0xd6: {  	v62 =	vunpack.i.l.bf16.f32 v41;
	v63 =	vunpack.i.u.bf16.f32 v41;
	v41 =	vld.idx.msk [tilespmem:v31+s28+$0x0], $0xffff;
	v31 =	vmul.f32 v11, v42;
	[tilespmem:s25+$0xFFFFFF60] =	vst v22  }
0xd7: {  	v46 =	vunpack.i.l.bf16.f32 v30;
	v23 =	vmul.f32 v24, v62;
	[tilespmem:s25+$0x60] =	vst v45  }
0xd8: {  	v15 =	vld.idx.msk [tilespmem:v15+s28+$0x0], $0xffff;
	v22 =	vmul.f32 v7, v46;
	[tilespmem:s25+$0x70] =	vst v31  }
0xd9: {  	v51 =	vld.idx.msk [tilespmem:v36+s28+$0x0], $0xffff;
	v11 =	vand.u32 $0xFFFFFFFE, v26;
	v32 =	vmul.f32 v24, v63;
	v54 =	vunpack.i.u.bf16.f32 v27;
	[tilespmem:s5+$0x80] =	vst v23  }
0xda: {  	v48 =	vor.u32 v1, v16;
	v27 =	vunpack.i.l.bf16.f32 v27;
	[tilespmem:s22+$0xFFFFFFC0] =	vst v22;
	v22 =	vmul.f32 v11, v54  }
0xdb: {  	v9 =	vand.u32 $0xFFFFFFFE, v18;
	[tilespmem:s5+$0x90] =	vst v32;
	v27 =	vmul.f32 v11, v27;
	v50 =	vunpack.i.u.bf16.f32 v41  }
0xdc: {  	v33 =	vld.idx.msk [tilespmem:v33+s28+$0x0], $0xffff;
	v23 =	vunpack.i.l.bf16.f32 v41;
	[tilespmem:s5+$0xFFFFFF10] =	vst v22;
	v53 =	vmul.f32 v9, v50  }
0xdd: {  	v57 =	vor.u32 v1, v17;
	v58 =	vunpack.i.l.bf16.f32 v15;
	[tilespmem:s5+$0xFFFFFF00] =	vst v27;
	v23 =	vmul.f32 v9, v23  }
0xde: {  	v59 =	vld.idx.msk [tilespmem:v28+s28+$0x0], $0xffff;
	v60 =	vunpack.i.l.bf16.f32 v51;
	v32 =	vmul.f32 v10, v58;
	[tilespmem:s5+$0x10] =	vst v53  }
0xdf: {  	v56 =	vor.u32 v1, v20;
	v18 =	vunpack.i.u.bf16.f32 v51;
	v61 =	vmul.f32 v25, v60;
	[tilespmem:s5+$0x0] =	vst v23  }
0xe0: {  	v31 =	vld.idx.msk [tilespmem:v48+s28+$0x0], $0xffff;
	v15 =	vunpack.i.u.bf16.f32 v15;
	v18 =	vmul.f32 v25, v18;
	[tilespmem:s22+$0x40] =	vst v32  }
0xe1: {  	v52 =	vunpack.i.u.bf16.f32 v33;
	v15 =	vmul.f32 v10, v15;
	[tilespmem:s5+$0xFFFFFFA0] =	vst v61  }
0xe2: {  	v26 =	vld.idx.msk [tilespmem:v57+s28+$0x0], $0xffff;
	v35 =	vunpack.i.l.bf16.f32 v33;
	v55 =	vmul.f32 v12, v52;
	[tilespmem:s5+$0xFFFFFFB0] =	vst v18  }
0xe3: {  	v21 =	vor.u32 v2, v21;
	v34 =	vunpack.i.u.bf16.f32 v59;
	v36 =	vmul.f32 v12, v35;
	[tilespmem:s22+$0x50] =	vst v15  }
0xe4: {  	v32 =	vunpack.i.l.bf16.f32 v59;
	v15 =	vmul.f32 v6, v34;
	[tilespmem:s22+$0xF0] =	vst v55;
	v63 =	vld.idx.msk [tilespmem:v56+s28+$0x0], $0xffff  }
0xe5: {  	v62 =	vunpack.i.l.bf16.f32 v31;
	v18 =	vmul.f32 v6, v32;
	[tilespmem:s22+$0xE0] =	vst v36  }
0xe6: {  	v5 =	vld.idx.msk [tilespmem:v5+s28+$0x0], $0xffff;
	v31 =	vunpack.i.u.bf16.f32 v31;
	v23 =	vmul.f32 v24, v62;
	[tilespmem:s22+$0xFFFFFF50] =	vst v15  }
0xe7: {  	v27 =	vmul.f32 v24, v31;
	[tilespmem:s22+$0xFFFFFF40] =	vst v18;
	v39 =	vunpack.i.u.bf16.f32 v26  }
0xe8: {  	v41 =	vor.u32 v2, v17;
	v46 =	vld.idx.msk [tilespmem:v21+s28+$0x0], $0xffff;
	v44 =	vunpack.i.l.bf16.f32 v26;
	[tilespmem:s5+$0xA0] =	vst v23;
	v43 =	vmul.f32 v11, v39  }
0xe9: {  	v38 =	vor.u32 v2, v20;
	[tilespmem:s5+$0xB0] =	vst v27;
	v8 =	vld.idx.msk [tilespmem:v8+s28+$0x0], $0xffff;
	v22 =	vmul.f32 v11, v44;
	v37 =	vunpack.i.l.bf16.f32 v63  }
0xea: {  	v19 =	vld.idx.msk [tilespmem:v19+s28+$0x0], $0xffff;
	v42 =	vunpack.i.u.bf16.f32 v63;
	[tilespmem:s5+$0xFFFFFF30] =	vst v43;
	v40 =	vmul.f32 v9, v37  }
0xeb: {  	v47 =	vunpack.i.l.bf16.f32 v5;
	v5 =	vunpack.i.u.bf16.f32 v5;
	[tilespmem:s5+$0xFFFFFF20] =	vst v22;
	v45 =	vmul.f32 v9, v42  }
0xec: {  	v5 =	vmul.f32 v7, v5;
	[tilespmem:s5+$0x20] =	vst v40  }
0xed: {  	v48 =	vmul.f32 v7, v47;
	v18 =	vunpack.i.u.bf16.f32 v46;
	v17 =	vld.idx.msk [tilespmem:v41+s28+$0x0], $0xffff;
	[tilespmem:s5+$0x30] =	vst v45  }
0xee: {  	[tilespmem:s22+$0xFFFFFFF0] =	vst v5;
	v53 =	vmul.f32 v25, v18;
	v5 =	vunpack.i.l.bf16.f32 v8;
	v15 =	vld.idx.msk [tilespmem:v38+s28+$0x0], $0xffff  }
0xef: {  	v51 =	vor.u32 v3, v16;
	[tilespmem:s22+$0xFFFFFFE0] =	vst v48;
	v49 =	vunpack.i.l.bf16.f32 v19;
	v5 =	vmul.f32 v6, v5  }
0xf0: {  	[tilespmem:s5+$0xFFFFFFD0] =	vst v53;
	v50 =	vunpack.i.u.bf16.f32 v19;
	v7 =	vmul.f32 v24, v49  }
0xf1: {  	v4 =	vld.idx.msk [tilespmem:v4+s28+$0x0], $0xffff;
	v52 =	vunpack.i.l.bf16.f32 v46;
	v12 =	vmul.f32 v24, v50;
	[tilespmem:s22+$0xFFFFFF60] =	vst v5  }
0xf2: {  	v54 =	vunpack.i.l.bf16.f32 v17;
	v17 =	vunpack.i.u.bf16.f32 v17;
	[tilespmem:s5+$0xC0] =	vst v7;
	v7 =	vmul.f32 v25, v52  }
0xf3: {  	[tilespmem:s5+$0xD0] =	vst v12;
	v56 =	vmul.f32 v11, v17;
	v5 =	vunpack.i.l.bf16.f32 v15  }
0xf4: {  	v16 =	vld.idx.msk [tilespmem:v51+s28+$0x0], $0xffff;
	[tilespmem:s5+$0xFFFFFFC0] =	vst v7;
	v55 =	vunpack.i.u.bf16.f32 v15;
	v5 =	vmul.f32 v9, v5  }
0xf5: {  	[tilespmem:s5+$0xFFFFFF50] =	vst v56;
	v13 =	vld.idx.msk [tilespmem:v13+s28+$0x0], $0xffff;
	v12 =	vmul.f32 v9, v55  }
0xf6: {  	v7 =	vmul.f32 v11, v54;
	[tilespmem:s5+$0x40] =	vst v5;
	v5 =	vunpack.i.u.bf16.f32 v4  }
0xf7: {  	v4 =	vunpack.i.l.bf16.f32 v4;
	[tilespmem:s5+$0x50] =	vst v12;
	v5 =	vmul.f32 v10, v5  }
0xf8: {  	v57 =	vunpack.i.u.bf16.f32 v8;
	[tilespmem:s5+$0xFFFFFF40] =	vst v7;
	v4 =	vmul.f32 v10, v4;
	v60 =	vld.idx.msk [tilespmem:v14+s28+$0x0], $0xffff  }
0xf9: {  	v59 =	vmul.f32 v6, v57;
	v58 =	vld.idx.msk [tilespmem:v29+s28+$0x0], $0xffff;
	[tilespmem:s22+$0x70] =	vst v5;
	v5 =	vunpack.i.u.bf16.f32 v16  }
0xfa: {  	[tilespmem:s22+$0x60] =	vst v4;
	v61 =	vunpack.i.l.bf16.f32 v13;
	v4 =	vmul.f32 v24, v5  }
0xfb: {  	[tilespmem:s22+$0xFFFFFF70] =	vst v59;
	v5 =	vunpack.i.l.bf16.f32 v16;
	v6 =	vmul.f32 v25, v61  }
0xfc: {  	v5 =	vmul.f32 v24, v5;
	[tilespmem:s5+$0xF0] =	vst v4;
	v4 =	vunpack.i.u.bf16.f32 v13  }
0xfd: {  	[tilespmem:s5+$0xFFFFFFE0] =	vst v6;
	v62 =	vunpack.i.u.bf16.f32 v60;
	v4 =	vmul.f32 v25, v4  }
0xfe: {  	[tilespmem:s5+$0xE0] =	vst v5;
	v5 =	vunpack.i.l.bf16.f32 v58;
	v6 =	vmul.f32 v9, v62  }
0xff: {  	v5 =	vmul.f32 v11, v5;
	[tilespmem:s5+$0xFFFFFFF0] =	vst v4;
	v4 =	vunpack.i.l.bf16.f32 v60  }
0x100: {  	v63 =	vunpack.i.u.bf16.f32 v58;
	[tilespmem:s5+$0x70] =	vst v6;
	v4 =	vmul.f32 v9, v4  }
0x101: {  	[tilespmem:s5+$0xFFFFFF60] =	vst v5;
	v5 =	vmul.f32 v11, v63  }
0x102: {  	[tilespmem:s5+$0x60] =	vst v4  }
0x103: {  	[tilespmem:s5+$0xFFFFFF70] =	vst v5  }
0x104: {  	v4 =	vld [tilespmem:s12+$0x80];
	_ =	sdelay $0x4  }
0x105: {  	[tilespmem:$0x400] =	vst v4  }
0x106: {  	v4 =	vld [tilespmem:s13+$0x10];
	_ =	sdelay $0x4  }
0x107: {  	[tilespmem:$0x410] =	vst v4  }
0x108: {  	v4 =	vld [tilespmem:s13+$0x20];
	_ =	sdelay $0x4  }
0x109: {  	[tilespmem:$0x420] =	vst v4  }
0x10a: {  	v4 =	vld [tilespmem:s13+$0x30];
	_ =	sdelay $0x4  }
0x10b: {  	[tilespmem:$0x430] =	vst v4  }
0x10c: {  	v4 =	vld [tilespmem:s13+$0x40];
	_ =	sdelay $0x4  }
0x10d: {  	[tilespmem:$0x440] =	vst v4  }
0x10e: {  	v4 =	vld [tilespmem:s13+$0x50]  }
0x10f: {  	p2 =	sne.s32 s19, $0x68  }
.Ltmp3:
0x110: {  	_ = 	snop;
	(pc) =	sbr.rel @p2 .LBB2_6-.Ltmp3, $3  }
0x111: {  	_ =	sdelay $0x1  }
0x112: {  	[tilespmem:$0x450] =	vst v4  }
0x113: {  	[spmem:s3] =	stream.indirect.scatter.add.f32 [tilespmem:s0], [sflag:$0x3], $0x80, s31, s26, $0xb8;
	[tilespmem:$0x1FDC0] =	vst v63  }
.Ltmp4:
0x114: {  	(pc) =	sbr.rel .LBB2_7-.Ltmp4, $4  }
0x115: {  	_ = 	snop  }
0x116: {  	_ =	swait.ge [sflag:s1], $0x3000  }
0x117: {  	[sflag:s1] =	ssyncset.done $0x0  }
0x118: {  	[sflag:s1] =	ssyncadd.s32 $0xFFFFD000  }
.LBB2_6:
0x119: {  	s5 =	sadd.s32 s7, s21  }
0x11a: {  	s5 =	sshll.u32 s5, $0x6  }
0x11b: {  	s5 =	sadd.s32 s5, s14  }
0x11c: {  	[tilespmem:s4], [sflag:$0x5] =	stream.linear.gather [hbm4b:s5+s4], $0x200, $0x38;
	[tilespmem:$0x1FDC0] =	vst v63  }
0x11d: {  	_ =	swait.ge [sflag:s16], $0x200  }
0x11e: {  	[sflag:s16] =	ssyncset.done $0x0  }
.Ltmp5:
0x11f: {  	[sflag:s16] =	ssyncadd.s32 $0xFFFFFE00;
	(pc) =	sbr.rel @p1 .LBB2_8-.Ltmp5, $4  }
0x120: {  	[tilespmem:s28], [sflag:$0x1] =	stream.indirect.gather [spmem:s2], $0x80, s4, s26, $0xb8;
	[tilespmem:$0x1FDC0] =	vst v63  }
0x121: {  	_ =	swait.ge [sflag:s1], $0x3000  }
0x122: {  	[sflag:s1] =	ssyncset.done $0x0  }
0x123: {  	[sflag:s1] =	ssyncadd.s32 $0xFFFFD000  }
.LBB2_7:
0x124: {  	_ =	swait.ge [sflag:s6], $0x3000  }
0x125: {  	[sflag:s6] =	ssyncset.done $0x0  }
0x126: {  	[sflag:s6] =	ssyncadd.s32 $0xFFFFD000  }
.LBB2_8:
0x127: {  	s5 =	simm.s32 $0x1  }
0x128: {  	s23 =	simm.s32 $0x3;
	v4 =	vmov s5  }
0x129: {  	v6 =	vmov s23;
	v5 =	vor.u32 $0x180, v4  }
0x12a: {  	v7 =	vor.u32 $0x180, v6;
	_ =	sdelay $0x2  }
0x12b: {  	s25 =	simm.s32 $0x0  }
0x12c: {  	s10 =	simm.s32 $0x2;
	v8 =	vmov s25;
	v5 =	vld.idx.msk [tilespmem:v5+s24+$0x0], $0xffff  }
0x12d: {  	v9 =	vmov s10;
	v10 =	vor.u32 $0x180, v8;
	v7 =	vld.idx.msk [tilespmem:v7+s24+$0x0], $0xffff  }
0x12e: {  	v11 =	vor.u32 $0x180, v9;
	_ =	sdelay $0x1  }
0x12f: {  	s18 =	simm.s32 $0x5;
	s20 =	simm.s32 $0x6  }
0x130: {  	v19 =	vmov s18;
	v25 =	vmov s20;
	v12 =	vshll.u32 v5, $0x6  }
0x131: {  	v4 =	vshll.u32 v4, $0x7;
	v14 =	vld.idx.msk [tilespmem:v10+s24+$0x0], $0xffff;
	v17 =	vand.u32 $0xFFFFFFFE, v7;
	v12 =	vand.u32 $0x40, v12  }
0x132: {  	s22 =	simm.s32 $0x7;
	v11 =	vld.idx.msk [tilespmem:v11+s24+$0x0], $0xffff;
	v4 =	vor.u32 v4, v12;
	v12 =	vshll.u32 v7, $0x6;
	v7 =	vor.u32 $0x180, v19  }
0x133: {  	v28 =	vmov s22;
	v6 =	vshll.u32 v6, $0x7;
	v10 =	vor.u32 v0, v4  }
0x134: {  	s10 =	simm.s32 $0x9;
	s18 =	simm.s32 $0xA;
	v8 =	vshll.u32 v8, $0x7;
	v9 =	vshll.u32 v9, $0x7;
	v12 =	vand.u32 $0x40, v12  }
0x135: {  	v49 =	vmov s10;
	v40 =	vmov s18;
	v6 =	vor.u32 v6, v12  }
0x136: {  	v41 =	vor.u32 $0x180, v49;
	v12 =	vshll.u32 v14, $0x6;
	v15 =	vor.u32 v0, v6  }
0x137: {  	v42 =	vor.u32 $0x180, v40;
	v13 =	vshll.u32 v11, $0x6;
	v12 =	vand.u32 $0x40, v12;
	v7 =	vld.idx.msk [tilespmem:v7+s24+$0x0], $0xffff  }
0x138: {  	v27 =	vand.u32 $0xFFFFFFFE, v5;
	v13 =	vand.u32 $0x40, v13;
	v8 =	vor.u32 v8, v12;
	v10 =	vld.idx.msk [tilespmem:v10+s29+$0x0], $0xffff  }
0x139: {  	v11 =	vand.u32 $0xFFFFFFFE, v11;
	v12 =	vor.u32 v9, v13;
	v9 =	vor.u32 v0, v8  }
0x13a: {  	v19 =	vshll.u32 v19, $0x7;
	v5 =	vor.u32 v1, v4;
	v24 =	vor.u32 v2, v4  }
0x13b: {  	v18 =	vor.u32 v2, v6;
	v29 =	vor.u32 v1, v6;
	v16 =	vor.u32 v0, v12;
	v15 =	vld.idx.msk [tilespmem:v15+s29+$0x0], $0xffff  }
0x13c: {  	v13 =	vor.u32 v3, v4;
	v23 =	vor.u32 v3, v12;
	v22 =	vor.u32 v3, v8  }
0x13d: {  	v32 =	vshll.u32 v7, $0x6;
	v7 =	vand.u32 $0xFFFFFFFE, v7;
	v20 =	vunpack.i.l.bf16.f32 v10  }
0x13e: {  	v4 =	vld.idx.msk [tilespmem:v9+s29+$0x0], $0xffff;
	v21 =	vunpack.i.u.bf16.f32 v10;
	v10 =	vor.u32 v2, v12;
	v20 =	vmul.f32 v27, v20  }
0x13f: {  	s25 =	simm.s32 $0x9600;
	v32 =	vand.u32 $0x40, v32;
	v9 =	vmul.f32 v27, v21;
	v21 =	vor.u32 $0x180, v25  }
0x140: {  	v16 =	vld.idx.msk [tilespmem:v16+s29+$0x0], $0xffff;
	v19 =	vor.u32 v19, v32;
	v26 =	vunpack.i.u.bf16.f32 v15;
	v15 =	vunpack.i.l.bf16.f32 v15;
	[tilespmem:s25+$0xFFFFFF80] =	vst v20  }
0x141: {  	v32 =	vor.u32 v0, v19;
	[tilespmem:s25+$0xFFFFFF90] =	vst v9;
	v9 =	vand.u32 $0xFFFFFFFE, v14;
	v14 =	vmul.f32 v17, v15  }
0x142: {  	v12 =	vor.u32 v1, v12;
	v15 =	vor.u32 $0x180, v28;
	v26 =	vmul.f32 v17, v26;
	v5 =	vld.idx.msk [tilespmem:v5+s29+$0x0], $0xffff  }
0x143: {  	v37 =	vor.u32 v1, v19;
	v20 =	vor.u32 v1, v8;
	v30 =	vunpack.i.u.bf16.f32 v4;
	[tilespmem:s25+$0x80] =	vst v14  }
0x144: {  	s23 =	simm.s32 $0x4;
	v28 =	vshll.u32 v28, $0x7;
	v4 =	vunpack.i.l.bf16.f32 v4;
	v14 =	vmul.f32 v9, v30;
	[tilespmem:s25+$0x90] =	vst v26;
	v21 =	vld.idx.msk [tilespmem:v21+s24+$0x0], $0xffff  }
0x145: {  	v30 =	vunpack.i.l.bf16.f32 v16;
	v16 =	vunpack.i.u.bf16.f32 v16;
	v26 =	vmov s23;
	v29 =	vld.idx.msk [tilespmem:v29+s29+$0x0], $0xffff  }
0x146: {  	v4 =	vmul.f32 v9, v4;
	v31 =	vor.u32 $0x180, v26;
	v16 =	vmul.f32 v11, v16;
	v32 =	vld.idx.msk [tilespmem:v32+s29+$0x0], $0xffff  }
0x147: {  	v30 =	vmul.f32 v11, v30;
	v26 =	vshll.u32 v26, $0x7;
	[tilespmem:s25+$0xFFFFFF10] =	vst v14;
	v15 =	vld.idx.msk [tilespmem:v15+s24+$0x0], $0xffff;
	v33 =	vunpack.i.l.bf16.f32 v5  }
0x148: {  	[tilespmem:s25+$0x10] =	vst v16;
	v16 =	vunpack.i.u.bf16.f32 v5;
	v5 =	vor.u32 v3, v19;
	v19 =	vor.u32 v2, v19  }
0x149: {  	[tilespmem:s25+$0xFFFFFF00] =	vst v4;
	v33 =	vmul.f32 v27, v33;
	v16 =	vmul.f32 v27, v16;
	v14 =	vshll.u32 v21, $0x6  }
0x14a: {  	v20 =	vld.idx.msk [tilespmem:v20+s29+$0x0], $0xffff;
	[tilespmem:s25+$0x0] =	vst v30;
	v34 =	vunpack.i.l.bf16.f32 v29;
	v29 =	vunpack.i.u.bf16.f32 v29;
	v4 =	vand.u32 $0x40, v14  }
0x14b: {  	v47 =	vld.idx.msk [tilespmem:v12+s29+$0x0], $0xffff;
	v14 =	vshll.u32 v25, $0x7;
	[tilespmem:s25+$0xFFFFFFB0] =	vst v16;
	v16 =	vmul.f32 v17, v34;
	v30 =	vmul.f32 v17, v29  }
0x14c: {  	v38 =	vunpack.i.l.bf16.f32 v32;
	v32 =	vunpack.i.u.bf16.f32 v32;
	v25 =	vshll.u32 v15, $0x6  }
0x14d: {  	v31 =	vld.idx.msk [tilespmem:v31+s24+$0x0], $0xffff;
	v14 =	vor.u32 v14, v4;
	v12 =	vand.u32 $0xFFFFFFFE, v15;
	v38 =	vmul.f32 v7, v38  }
0x14e: {  	[tilespmem:s25+$0xFFFFFFA0] =	vst v33;
	v32 =	vmul.f32 v7, v32;
	v46 =	vor.u32 v0, v14;
	v4 =	vor.u32 v3, v14  }
0x14f: {  	v25 =	vand.u32 $0x40, v25;
	[tilespmem:s25+$0xA0] =	vst v16;
	v16 =	vunpack.i.u.bf16.f32 v20;
	v20 =	vunpack.i.l.bf16.f32 v20  }
0x150: {  	v24 =	vld.idx.msk [tilespmem:v24+s29+$0x0], $0xffff;
	[tilespmem:s25+$0xB0] =	vst v30;
	v36 =	vunpack.i.u.bf16.f32 v47;
	v56 =	vor.u32 v1, v14;
	v25 =	vor.u32 v28, v25  }
0x151: {  	s22 =	simm.s32 $0x9800;
	v28 =	vor.u32 v2, v8;
	v15 =	vld.idx.msk [tilespmem:v18+s29+$0x0], $0xffff;
	v18 =	vor.u32 v3, v6;
	v6 =	vunpack.i.l.bf16.f32 v47  }
0x152: {  	v20 =	vmul.f32 v9, v20;
	v16 =	vmul.f32 v9, v16;
	[tilespmem:s22+$0xFFFFFF80] =	vst v38;
	v8 =	vshll.u32 v31, $0x6  }
0x153: {  	[tilespmem:s22+$0xFFFFFF90] =	vst v32;
	v36 =	vmul.f32 v11, v36;
	v35 =	vor.u32 v0, v25;
	v8 =	vand.u32 $0x40, v8  }
0x154: {  	v29 =	vor.u32 v2, v25;
	v6 =	vmul.f32 v11, v6;
	[tilespmem:s25+$0xFFFFFF30] =	vst v16;
	v30 =	vor.u32 v26, v8  }
0x155: {  	v32 =	vld.idx.msk [tilespmem:v37+s29+$0x0], $0xffff;
	[tilespmem:s25+$0x30] =	vst v36;
	v26 =	vunpack.i.u.bf16.f32 v24;
	v24 =	vunpack.i.l.bf16.f32 v24;
	v8 =	vor.u32 v3, v30  }
0x156: {  	[tilespmem:s25+$0xFFFFFF20] =	vst v20;
	v48 =	vor.u32 v0, v30;
	v20 =	vmul.f32 v27, v26;
	v39 =	vunpack.i.l.bf16.f32 v15  }
0x157: {  	[tilespmem:s25+$0x20] =	vst v6;
	v33 =	vld.idx.msk [tilespmem:v46+s29+$0x0], $0xffff;
	v50 =	vunpack.i.u.bf16.f32 v15;
	v15 =	vor.u32 v2, v14;
	v14 =	vmul.f32 v27, v24  }
0x158: {  	s23 =	simm.s32 $0x8;
	v43 =	vor.u32 v1, v30;
	v54 =	vld.idx.msk [tilespmem:v10+s29+$0x0], $0xffff;
	v10 =	vand.u32 $0xFFFFFFFE, v21;
	v6 =	vmul.f32 v17, v39;
	[tilespmem:s25+$0xFFFFFFD0] =	vst v20  }
0x159: {  	v21 =	vshll.u32 v49, $0x7;
	v24 =	vmov s23;
	v35 =	vld.idx.msk [tilespmem:v35+s29+$0x0], $0xffff;
	v38 =	vmul.f32 v17, v50;
	[tilespmem:s25+$0xFFFFFFC0] =	vst v14  }
0x15a: {  	s20 =	simm.s32 $0xB;
	v28 =	vld.idx.msk [tilespmem:v28+s29+$0x0], $0xffff;
	v57 =	vor.u32 $0x180, v24;
	v20 =	vshll.u32 v40, $0x7;
	v14 =	vunpack.i.l.bf16.f32 v32;
	[tilespmem:s25+$0xC0] =	vst v6  }
0x15b: {  	v32 =	vunpack.i.u.bf16.f32 v32;
	v6 =	vand.u32 $0xFFFFFFFE, v31;
	v31 =	vmov s20;
	[tilespmem:s25+$0xD0] =	vst v38;
	v34 =	vld.idx.msk [tilespmem:v48+s29+$0x0], $0xffff  }
0x15c: {  	v52 =	vor.u32 $0x180, v31;
	v38 =	vld.idx.msk [tilespmem:v18+s29+$0x0], $0xffff;
	v18 =	vor.u32 v1, v25;
	v55 =	vunpack.i.l.bf16.f32 v33  }
0x15d: {  	v41 =	vld.idx.msk [tilespmem:v41+s24+$0x0], $0xffff;
	v47 =	vunpack.i.l.bf16.f32 v54;
	v48 =	vmul.f32 v7, v14;
	v14 =	vunpack.i.u.bf16.f32 v54  }
0x15e: {  	v49 =	vshll.u32 v31, $0x7;
	v44 =	vunpack.i.u.bf16.f32 v35;
	v35 =	vunpack.i.l.bf16.f32 v35  }
0x15f: {  	v58 =	vunpack.i.u.bf16.f32 v28;
	v59 =	vmul.f32 v11, v47;
	v47 =	vld.idx.msk [tilespmem:v13+s29+$0x0], $0xffff;
	v16 =	vmul.f32 v12, v35  }
0x160: {  	v28 =	vunpack.i.l.bf16.f32 v28;
	v60 =	vmul.f32 v11, v14;
	v51 =	vmul.f32 v12, v44  }
0x161: {  	v53 =	vunpack.i.u.bf16.f32 v34;
	v26 =	vunpack.i.l.bf16.f32 v34;
	[tilespmem:s22+$0x80] =	vst v16;
	v16 =	vunpack.i.u.bf16.f32 v33  }
0x162: {  	[tilespmem:s22+$0xFFFFFFA0] =	vst v48;
	v33 =	vor.u32 v3, v25;
	v25 =	vand.u32 $0xFFFFFFFE, v41;
	v36 =	vmul.f32 v6, v53  }
0x163: {  	[tilespmem:s22+$0x90] =	vst v51;
	v37 =	vld.idx.msk [tilespmem:v52+s24+$0x0], $0xffff;
	v45 =	vmul.f32 v6, v26;
	v26 =	vunpack.i.u.bf16.f32 v38;
	v16 =	vmul.f32 v10, v16  }
0x164: {  	[tilespmem:s25+$0x50] =	vst v60;
	v35 =	vld.idx.msk [tilespmem:v18+s29+$0x0], $0xffff;
	v18 =	vshll.u32 v41, $0x6;
	v38 =	vunpack.i.l.bf16.f32 v38;
	v63 =	vunpack.i.u.bf16.f32 v47  }
0x165: {  	v53 =	vmul.f32 v9, v28;
	v28 =	vor.u32 v2, v30;
	v26 =	vmul.f32 v17, v26;
	[tilespmem:s22+$0x10] =	vst v16  }
0x166: {  	v46 =	vand.u32 $0x40, v18;
	v18 =	vld.idx.msk [tilespmem:v42+s24+$0x0], $0xffff;
	v42 =	vmul.f32 v9, v58;
	v60 =	vmul.f32 v17, v38;
	[tilespmem:s22+$0xFFFFFF10] =	vst v36  }
0x167: {  	v21 =	vor.u32 v21, v46;
	v16 =	vmul.f32 v10, v55;
	[tilespmem:s22+$0xFFFFFF00] =	vst v45;
	v55 =	vshll.u32 v24, $0x7  }
0x168: {  	v13 =	vor.u32 v3, v21;
	[tilespmem:s25+$0xF0] =	vst v26;
	v46 =	vor.u32 v0, v21;
	v26 =	vld.idx.msk [tilespmem:v57+s24+$0x0], $0xffff;
	v61 =	vshll.u32 v37, $0x6  }
0x169: {  	v62 =	vld.idx.msk [tilespmem:v43+s29+$0x0], $0xffff;
	[tilespmem:s22+$0x0] =	vst v16;
	v16 =	vmul.f32 v7, v32;
	v32 =	vmul.f32 v27, v63;
	v50 =	vunpack.i.l.bf16.f32 v35  }
0x16a: {  	[tilespmem:s25+$0x40] =	vst v59;
	v35 =	vunpack.i.u.bf16.f32 v35;
	v36 =	vand.u32 $0x40, v61;
	v61 =	vunpack.i.l.bf16.f32 v47  }
0x16b: {  	v54 =	vld.idx.msk [tilespmem:v56+s29+$0x0], $0xffff;
	v14 =	vshll.u32 v18, $0x6;
	v52 =	vmul.f32 v12, v50;
	v35 =	vmul.f32 v12, v35;
	[tilespmem:s22+$0xFFFFFFB0] =	vst v16  }
0x16c: {  	[tilespmem:s25+$0xFFFFFF40] =	vst v53;
	v16 =	vor.u32 v49, v36;
	v36 =	vor.u32 v1, v21;
	v14 =	vand.u32 $0x40, v14;
	v30 =	vld.idx.msk [tilespmem:v19+s29+$0x0], $0xffff  }
0x16d: {  	v56 =	vor.u32 v0, v16;
	v19 =	vor.u32 v2, v16;
	v20 =	vor.u32 v20, v14;
	[tilespmem:s22+$0xA0] =	vst v52  }
0x16e: {  	v24 =	vshll.u32 v26, $0x6;
	v58 =	vunpack.i.u.bf16.f32 v62;
	v59 =	vunpack.i.l.bf16.f32 v62;
	v46 =	vld.idx.msk [tilespmem:v46+s29+$0x0], $0xffff;
	[tilespmem:s22+$0xB0] =	vst v35  }
0x16f: {  	v62 =	vmul.f32 v27, v61;
	v31 =	vor.u32 v0, v20;
	v14 =	vor.u32 v3, v20;
	v39 =	vld.idx.msk [tilespmem:v29+s29+$0x0], $0xffff  }
0x170: {  	[tilespmem:s25+$0xFFFFFF50] =	vst v42;
	v35 =	vld.idx.msk [tilespmem:v23+s29+$0x0], $0xffff;
	v57 =	vand.u32 $0x40, v24;
	v24 =	vand.u32 $0xFFFFFFFE, v37;
	v40 =	vmul.f32 v6, v59  }
0x171: {  	[tilespmem:s25+$0xE0] =	vst v60;
	v37 =	vld.idx.msk [tilespmem:v22+s29+$0x0], $0xffff;
	v17 =	vor.u32 v55, v57;
	v38 =	vunpack.i.u.bf16.f32 v54;
	v23 =	vunpack.i.l.bf16.f32 v54  }
0x172: {  	[tilespmem:s25+$0xFFFFFFF0] =	vst v32;
	v29 =	vor.u32 v3, v17;
	v27 =	vor.u32 v0, v17;
	v63 =	vmul.f32 v10, v23  }
0x173: {  	[tilespmem:s25+$0xFFFFFFE0] =	vst v62;
	v23 =	vmul.f32 v6, v58;
	v34 =	vunpack.i.u.bf16.f32 v30;
	v22 =	vunpack.i.l.bf16.f32 v46  }
0x174: {  	s5 =	simm.s32 $0x9A00;
	s10 =	simm.s32 $0xC;
	v41 =	vld.idx.msk [tilespmem:v56+s29+$0x0], $0xffff;
	v42 =	vunpack.i.u.bf16.f32 v46;
	[tilespmem:s22+$0x20] =	vst v63;
	v43 =	vmul.f32 v25, v22;
	v44 =	vunpack.i.l.bf16.f32 v39  }
.LBB2_9:
0x175: {  	s18 =	sadd.s32 $0x1, s10;
	s20 =	sadd.s32 $0x2, s10;
	s23 =	sadd.s32 $0x3, s10;
	v32 =	vor.u32 v2, v21;
	v21 =	vor.u32 v2, v20;
	v44 =	vmul.f32 v12, v44;
	v22 =	vmovc v24  }
0x176: {  	p1 =	slt.u32 s10, $0x5C;
	v46 =	vunpack.i.l.bf16.f32 v37;
	v45 =	vmov s18;
	v24 =	vmov s20;
	[tilespmem:s22+$0xFFFFFF30] =	vst v23;
	v23 =	vmovc v8;
	v8 =	vmovc v29;
	s20 =	smov.u32 s10;
	s10 =	sadd.s32 $0x4, s10  }
0x177: {  	v39 =	vunpack.i.u.bf16.f32 v39;
	v29 =	vor.u32 $0x180, v45;
	v47 =	vor.u32 $0x180, v24;
	v48 =	vld.idx.msk [tilespmem:v27+s29+$0x0], $0xffff;
	[tilespmem:s5+$0xFFFFFF80] =	vst v43;
	v27 =	vmovc v7;
	v7 =	vmovc v25  }
0x178: {  	v39 =	vmul.f32 v12, v39;
	v43 =	vor.u32 v1, v17;
	v25 =	vmul.f32 v7, v42;
	[tilespmem:s22+$0xC0] =	vst v44  }
0x179: {  	v37 =	vunpack.i.u.bf16.f32 v37;
	v42 =	vunpack.i.u.bf16.f32 v41;
	v41 =	vunpack.i.l.bf16.f32 v41;
	v31 =	vld.idx.msk [tilespmem:v31+s29+$0x0], $0xffff;
	[tilespmem:s22+$0xFFFFFF20] =	vst v40  }
0x17a: {  	v26 =	vand.u32 $0xFFFFFFFE, v26;
	v40 =	vmul.f32 v9, v46;
	[tilespmem:s5+$0xFFFFFF90] =	vst v25;
	v25 =	vmul.f32 v22, v41  }
0x17b: {  	v38 =	vmul.f32 v10, v38;
	v42 =	vmul.f32 v22, v42;
	v41 =	vmov s23;
	v36 =	vld.idx.msk [tilespmem:v36+s29+$0x0], $0xffff;
	[tilespmem:s22+$0xD0] =	vst v39  }
0x17c: {  	v44 =	vor.u32 v1, v16;
	v46 =	vunpack.i.l.bf16.f32 v35;
	v39 =	vor.u32 $0x180, v41;
	[tilespmem:s5+$0x80] =	vst v25;
	v33 =	vld.idx.msk [tilespmem:v33+s29+$0x0], $0xffff  }
0x17d: {  	v25 =	vld.idx.msk [tilespmem:v29+s24+$0x0], $0xffff;
	v29 =	vunpack.i.l.bf16.f32 v30;
	v30 =	vmul.f32 v27, v34;
	[tilespmem:s22+$0x30] =	vst v38;
	v34 =	vunpack.i.u.bf16.f32 v35  }
0x17e: {  	v35 =	vunpack.i.u.bf16.f32 v48;
	v38 =	vunpack.i.l.bf16.f32 v48;
	[tilespmem:s5+$0x90] =	vst v42;
	v42 =	vld.idx.msk [tilespmem:v15+s29+$0x0], $0xffff;
	v34 =	vmul.f32 v11, v34;
	v15 =	vmovc v21  }
0x17f: {  	v46 =	vmul.f32 v11, v46;
	v35 =	vmul.f32 v26, v35;
	v48 =	vunpack.i.l.bf16.f32 v31;
	v21 =	vld.idx.msk [tilespmem:v28+s29+$0x0], $0xffff;
	[tilespmem:s25+$0xFFFFFF60] =	vst v40  }
0x180: {  	v18 =	vand.u32 $0xFFFFFFFE, v18;
	v37 =	vmul.f32 v9, v37;
	v9 =	vmovc v6;
	v28 =	vmul.f32 v26, v38;
	[tilespmem:s25+$0x70] =	vst v34  }
0x181: {  	v6 =	vmovc v26;
	v31 =	vunpack.i.u.bf16.f32 v31;
	v34 =	vor.u32 v1, v20;
	v20 =	vmul.f32 v27, v29;
	[tilespmem:s25+$0x60] =	vst v46  }
0x182: {  	v11 =	vmovc v10;
	v10 =	vmovc v18;
	v26 =	vshll.u32 v45, $0x7;
	v29 =	vmov s20;
	v40 =	vunpack.i.u.bf16.f32 v33;
	v38 =	vld.idx.msk [tilespmem:v44+s29+$0x0], $0xffff  }
0x183: {  	v44 =	vor.u32 $0x180, v29;
	v18 =	vshll.u32 v25, $0x6;
	v40 =	vmul.f32 v12, v40;
	v39 =	vld.idx.msk [tilespmem:v39+s24+$0x0], $0xffff;
	[tilespmem:s25+$0xFFFFFF70] =	vst v37;
	s25 =	smov.u32 s22;
	s22 =	smov.u32 s5  }
0x184: {  	v31 =	vmul.f32 v10, v31;
	v37 =	vand.u32 $0x40, v18;
	v18 =	vld.idx.msk [tilespmem:v47+s24+$0x0], $0xffff;
	[tilespmem:s25+$0xFFFFFFC0] =	vst v20;
	v20 =	vunpack.i.l.bf16.f32 v42  }
0x185: {  	v45 =	vunpack.i.l.bf16.f32 v36;
	v46 =	vunpack.i.u.bf16.f32 v21;
	v47 =	vunpack.i.l.bf16.f32 v21;
	[tilespmem:s25+$0xFFFFFFD0] =	vst v30  }
0x186: {  	v30 =	vmul.f32 v7, v45;
	[tilespmem:s5+$0x10] =	vst v31;
	v45 =	vld.idx.msk [tilespmem:v5+s29+$0x0], $0xffff;
	v31 =	vunpack.i.u.bf16.f32 v42;
	v42 =	vmul.f32 v11, v20  }
0x187: {  	v36 =	vunpack.i.u.bf16.f32 v36;
	v21 =	vor.u32 v26, v37;
	v37 =	vunpack.i.l.bf16.f32 v33;
	v5 =	vmovc v13;
	[tilespmem:s25+$0xF0] =	vst v40  }
0x188: {  	v13 =	vor.u32 v3, v21;
	v20 =	vmul.f32 v10, v48;
	v33 =	vmul.f32 v11, v31;
	v26 =	vld.idx.msk [tilespmem:v44+s24+$0x0], $0xffff  }
0x189: {  	v41 =	vshll.u32 v41, $0x7;
	v40 =	vor.u32 v0, v21;
	[tilespmem:s5+$0xFFFFFF10] =	vst v35;
	v35 =	vmul.f32 v9, v46  }
0x18a: {  	v44 =	vshll.u32 v39, $0x6;
	v31 =	vshll.u32 v18, $0x6;
	[tilespmem:s5+$0xFFFFFF00] =	vst v28;
	v28 =	vunpack.i.l.bf16.f32 v38  }
0x18b: {  	v24 =	vshll.u32 v24, $0x7;
	v31 =	vand.u32 $0x40, v31;
	v38 =	vunpack.i.u.bf16.f32 v38;
	v43 =	vld.idx.msk [tilespmem:v43+s29+$0x0], $0xffff;
	[tilespmem:s5+$0x0] =	vst v20  }
0x18c: {  	v20 =	vor.u32 v24, v31;
	v24 =	vmul.f32 v7, v36;
	v36 =	vld.idx.msk [tilespmem:v34+s29+$0x0], $0xffff;
	v34 =	vunpack.i.u.bf16.f32 v45;
	[tilespmem:s25+$0x40] =	vst v42  }
0x18d: {  	v46 =	vmul.f32 v22, v28;
	v31 =	vor.u32 v0, v20;
	v42 =	vor.u32 v3, v20;
	[tilespmem:s5+$0xFFFFFFA0] =	vst v30  }
0x18e: {  	v28 =	vand.u32 $0x40, v44;
	v40 =	vld.idx.msk [tilespmem:v40+s29+$0x0], $0xffff;
	[tilespmem:s5+$0xFFFFFFB0] =	vst v24;
	v24 =	vmul.f32 v22, v38;
	v38 =	vmul.f32 v9, v47  }
0x18f: {  	v29 =	vshll.u32 v29, $0x7;
	v41 =	vor.u32 v41, v28;
	v28 =	vor.u32 v2, v17;
	v30 =	vld.idx.msk [tilespmem:v32+s29+$0x0], $0xffff;
	[tilespmem:s25+$0x50] =	vst v33  }
0x190: {  	v17 =	vshll.u32 v26, $0x6;
	v44 =	vor.u32 v2, v41;
	v32 =	vor.u32 v0, v41;
	[tilespmem:s5+$0xA0] =	vst v46  }
0x191: {  	v17 =	vand.u32 $0x40, v17;
	v46 =	vunpack.i.u.bf16.f32 v43;
	v43 =	vunpack.i.l.bf16.f32 v43;
	[tilespmem:s5+$0xB0] =	vst v24  }
0x192: {  	v12 =	vmul.f32 v12, v37;
	v33 =	vor.u32 v3, v16;
	v24 =	vand.u32 $0xFFFFFFFE, v39;
	v39 =	vld.idx.msk [tilespmem:v19+s29+$0x0], $0xffff;
	[tilespmem:s25+$0xFFFFFF40] =	vst v38  }
0x193: {  	v47 =	vunpack.i.l.bf16.f32 v45;
	v17 =	vor.u32 v29, v17;
	v19 =	vmul.f32 v27, v34;
	[tilespmem:s25+$0xFFFFFF50] =	vst v35;
	v35 =	vld.idx.msk [tilespmem:v4+s29+$0x0], $0xffff  }
.Ltmp6:
0x194: {  	v25 =	vand.u32 $0xFFFFFFFE, v25;
	v29 =	vor.u32 v3, v17;
	v4 =	vmovc v14;
	v37 =	vld.idx.msk [tilespmem:v23+s29+$0x0], $0xffff;
	v23 =	vmul.f32 v27, v47;
	(pc) =	sbr.rel @p1 .LBB2_9-.Ltmp6, $4  }
0x195: {  	v16 =	vmovc v41;
	v45 =	vunpack.i.l.bf16.f32 v36;
	s5 =	sadd.s32 $0x200, s5;
	v38 =	vunpack.i.u.bf16.f32 v36;
	v14 =	vmovc v42;
	v34 =	vunpack.i.u.bf16.f32 v30;
	[tilespmem:s25+$0xE0] =	vst v12  }
0x196: {  	v36 =	vor.u32 v1, v21;
	v45 =	vmul.f32 v10, v45;
	v27 =	vor.u32 v0, v17;
	[tilespmem:s25+$0xFFFFFFE0] =	vst v23  }
0x197: {  	v42 =	vunpack.i.u.bf16.f32 v40;
	v23 =	vunpack.i.l.bf16.f32 v40;
	v40 =	vmul.f32 v6, v43;
	v41 =	vld.idx.msk [tilespmem:v32+s29+$0x0], $0xffff;
	[tilespmem:s25+$0xFFFFFFF0] =	vst v19;
	v19 =	vmovc v44  }
0x198: {  	v12 =	vmovc v22;
	v43 =	vmul.f32 v25, v23;
	v23 =	vmul.f32 v6, v46;
	v44 =	vunpack.i.l.bf16.f32 v39;
	[tilespmem:s22+$0x20] =	vst v45  }
0x199: {  	[tilespmem:s22+$0xFFFFFF20] =	vst v40  }
0x19a: {  	v22 =	vmul.f32 v12, v44;
	[tilespmem:s22+$0xFFFFFF30] =	vst v23  }
0x19b: {  	v32 =	vmul.f32 v25, v42;
	[tilespmem:s5+$0xFFFFFF80] =	vst v43  }
0x19c: {  	v38 =	vmul.f32 v10, v38;
	[tilespmem:s22+$0xC0] =	vst v22  }
0x19d: {  	v60 =	vunpack.i.u.bf16.f32 v39;
	v49 =	vmul.f32 v7, v34;
	[tilespmem:s5+$0xFFFFFF90] =	vst v32  }
0x19e: {  	v44 =	vunpack.i.u.bf16.f32 v37;
	v61 =	vmul.f32 v12, v60;
	[tilespmem:s22+$0x30] =	vst v38  }
0x19f: {  	v40 =	vunpack.i.l.bf16.f32 v37;
	v47 =	vmul.f32 v9, v44;
	[tilespmem:s22+$0xFFFFFFD0] =	vst v49  }
0x1a0: {  	v27 =	vld.idx.msk [tilespmem:v27+s29+$0x0], $0xffff;
	v43 =	vunpack.i.l.bf16.f32 v35;
	v22 =	vmul.f32 v9, v40;
	[tilespmem:s22+$0xD0] =	vst v61  }
0x1a1: {  	v42 =	vunpack.i.u.bf16.f32 v35;
	v45 =	vmul.f32 v11, v43;
	[tilespmem:s25+$0xFFFFFF70] =	vst v47  }
0x1a2: {  	v62 =	vunpack.i.l.bf16.f32 v41;
	v63 =	vunpack.i.u.bf16.f32 v41;
	v41 =	vld.idx.msk [tilespmem:v31+s29+$0x0], $0xffff;
	v31 =	vmul.f32 v11, v42;
	[tilespmem:s25+$0xFFFFFF60] =	vst v22  }
0x1a3: {  	v46 =	vunpack.i.l.bf16.f32 v30;
	v23 =	vmul.f32 v24, v62;
	[tilespmem:s25+$0x60] =	vst v45  }
0x1a4: {  	v15 =	vld.idx.msk [tilespmem:v15+s29+$0x0], $0xffff;
	v22 =	vmul.f32 v7, v46;
	[tilespmem:s25+$0x70] =	vst v31  }
0x1a5: {  	v51 =	vld.idx.msk [tilespmem:v36+s29+$0x0], $0xffff;
	v11 =	vand.u32 $0xFFFFFFFE, v26;
	v32 =	vmul.f32 v24, v63;
	v54 =	vunpack.i.u.bf16.f32 v27;
	[tilespmem:s5+$0x80] =	vst v23  }
0x1a6: {  	v48 =	vor.u32 v1, v16;
	v27 =	vunpack.i.l.bf16.f32 v27;
	[tilespmem:s22+$0xFFFFFFC0] =	vst v22;
	v22 =	vmul.f32 v11, v54  }
0x1a7: {  	v9 =	vand.u32 $0xFFFFFFFE, v18;
	[tilespmem:s5+$0x90] =	vst v32;
	v27 =	vmul.f32 v11, v27;
	v50 =	vunpack.i.u.bf16.f32 v41  }
0x1a8: {  	v33 =	vld.idx.msk [tilespmem:v33+s29+$0x0], $0xffff;
	v23 =	vunpack.i.l.bf16.f32 v41;
	[tilespmem:s5+$0xFFFFFF10] =	vst v22;
	v53 =	vmul.f32 v9, v50  }
0x1a9: {  	v57 =	vor.u32 v1, v17;
	v58 =	vunpack.i.l.bf16.f32 v15;
	[tilespmem:s5+$0xFFFFFF00] =	vst v27;
	v23 =	vmul.f32 v9, v23  }
0x1aa: {  	v59 =	vld.idx.msk [tilespmem:v28+s29+$0x0], $0xffff;
	v60 =	vunpack.i.l.bf16.f32 v51;
	v32 =	vmul.f32 v10, v58;
	[tilespmem:s5+$0x10] =	vst v53  }
0x1ab: {  	v56 =	vor.u32 v1, v20;
	v18 =	vunpack.i.u.bf16.f32 v51;
	v61 =	vmul.f32 v25, v60;
	[tilespmem:s5+$0x0] =	vst v23  }
0x1ac: {  	v31 =	vld.idx.msk [tilespmem:v48+s29+$0x0], $0xffff;
	v15 =	vunpack.i.u.bf16.f32 v15;
	v18 =	vmul.f32 v25, v18;
	[tilespmem:s22+$0x40] =	vst v32  }
0x1ad: {  	v52 =	vunpack.i.u.bf16.f32 v33;
	v15 =	vmul.f32 v10, v15;
	[tilespmem:s5+$0xFFFFFFA0] =	vst v61  }
0x1ae: {  	v26 =	vld.idx.msk [tilespmem:v57+s29+$0x0], $0xffff;
	v35 =	vunpack.i.l.bf16.f32 v33;
	v55 =	vmul.f32 v12, v52;
	[tilespmem:s5+$0xFFFFFFB0] =	vst v18  }
0x1af: {  	v21 =	vor.u32 v2, v21;
	v34 =	vunpack.i.u.bf16.f32 v59;
	v36 =	vmul.f32 v12, v35;
	[tilespmem:s22+$0x50] =	vst v15  }
0x1b0: {  	v32 =	vunpack.i.l.bf16.f32 v59;
	v15 =	vmul.f32 v6, v34;
	[tilespmem:s22+$0xF0] =	vst v55;
	v63 =	vld.idx.msk [tilespmem:v56+s29+$0x0], $0xffff  }
0x1b1: {  	v62 =	vunpack.i.l.bf16.f32 v31;
	v18 =	vmul.f32 v6, v32;
	[tilespmem:s22+$0xE0] =	vst v36  }
0x1b2: {  	v5 =	vld.idx.msk [tilespmem:v5+s29+$0x0], $0xffff;
	v31 =	vunpack.i.u.bf16.f32 v31;
	v23 =	vmul.f32 v24, v62;
	[tilespmem:s22+$0xFFFFFF50] =	vst v15  }
0x1b3: {  	v27 =	vmul.f32 v24, v31;
	[tilespmem:s22+$0xFFFFFF40] =	vst v18;
	v39 =	vunpack.i.u.bf16.f32 v26  }
0x1b4: {  	v41 =	vor.u32 v2, v17;
	v46 =	vld.idx.msk [tilespmem:v21+s29+$0x0], $0xffff;
	v44 =	vunpack.i.l.bf16.f32 v26;
	[tilespmem:s5+$0xA0] =	vst v23;
	v43 =	vmul.f32 v11, v39  }
0x1b5: {  	v38 =	vor.u32 v2, v20;
	[tilespmem:s5+$0xB0] =	vst v27;
	v8 =	vld.idx.msk [tilespmem:v8+s29+$0x0], $0xffff;
	v22 =	vmul.f32 v11, v44;
	v37 =	vunpack.i.l.bf16.f32 v63  }
0x1b6: {  	v19 =	vld.idx.msk [tilespmem:v19+s29+$0x0], $0xffff;
	v42 =	vunpack.i.u.bf16.f32 v63;
	[tilespmem:s5+$0xFFFFFF30] =	vst v43;
	v40 =	vmul.f32 v9, v37  }
0x1b7: {  	v47 =	vunpack.i.l.bf16.f32 v5;
	v5 =	vunpack.i.u.bf16.f32 v5;
	[tilespmem:s5+$0xFFFFFF20] =	vst v22;
	v45 =	vmul.f32 v9, v42  }
0x1b8: {  	v5 =	vmul.f32 v7, v5;
	[tilespmem:s5+$0x20] =	vst v40  }
0x1b9: {  	v48 =	vmul.f32 v7, v47;
	v18 =	vunpack.i.u.bf16.f32 v46;
	v17 =	vld.idx.msk [tilespmem:v41+s29+$0x0], $0xffff;
	[tilespmem:s5+$0x30] =	vst v45  }
0x1ba: {  	[tilespmem:s22+$0xFFFFFFF0] =	vst v5;
	v53 =	vmul.f32 v25, v18;
	v5 =	vunpack.i.l.bf16.f32 v8;
	v15 =	vld.idx.msk [tilespmem:v38+s29+$0x0], $0xffff  }
0x1bb: {  	v51 =	vor.u32 v3, v16;
	[tilespmem:s22+$0xFFFFFFE0] =	vst v48;
	v49 =	vunpack.i.l.bf16.f32 v19;
	v5 =	vmul.f32 v6, v5  }
0x1bc: {  	[tilespmem:s5+$0xFFFFFFD0] =	vst v53;
	v50 =	vunpack.i.u.bf16.f32 v19;
	v7 =	vmul.f32 v24, v49  }
0x1bd: {  	v4 =	vld.idx.msk [tilespmem:v4+s29+$0x0], $0xffff;
	v52 =	vunpack.i.l.bf16.f32 v46;
	v12 =	vmul.f32 v24, v50;
	[tilespmem:s22+$0xFFFFFF60] =	vst v5  }
0x1be: {  	v54 =	vunpack.i.l.bf16.f32 v17;
	v17 =	vunpack.i.u.bf16.f32 v17;
	[tilespmem:s5+$0xC0] =	vst v7;
	v7 =	vmul.f32 v25, v52  }
0x1bf: {  	[tilespmem:s5+$0xD0] =	vst v12;
	v56 =	vmul.f32 v11, v17;
	v5 =	vunpack.i.l.bf16.f32 v15  }
0x1c0: {  	v16 =	vld.idx.msk [tilespmem:v51+s29+$0x0], $0xffff;
	[tilespmem:s5+$0xFFFFFFC0] =	vst v7;
	v55 =	vunpack.i.u.bf16.f32 v15;
	v5 =	vmul.f32 v9, v5  }
0x1c1: {  	[tilespmem:s5+$0xFFFFFF50] =	vst v56;
	v13 =	vld.idx.msk [tilespmem:v13+s29+$0x0], $0xffff;
	v12 =	vmul.f32 v9, v55  }
0x1c2: {  	v7 =	vmul.f32 v11, v54;
	[tilespmem:s5+$0x40] =	vst v5;
	v5 =	vunpack.i.u.bf16.f32 v4  }
0x1c3: {  	v4 =	vunpack.i.l.bf16.f32 v4;
	[tilespmem:s5+$0x50] =	vst v12;
	v5 =	vmul.f32 v10, v5  }
0x1c4: {  	v57 =	vunpack.i.u.bf16.f32 v8;
	[tilespmem:s5+$0xFFFFFF40] =	vst v7;
	v4 =	vmul.f32 v10, v4;
	v60 =	vld.idx.msk [tilespmem:v14+s29+$0x0], $0xffff  }
0x1c5: {  	v59 =	vmul.f32 v6, v57;
	v58 =	vld.idx.msk [tilespmem:v29+s29+$0x0], $0xffff;
	[tilespmem:s22+$0x70] =	vst v5;
	v5 =	vunpack.i.u.bf16.f32 v16  }
0x1c6: {  	[tilespmem:s22+$0x60] =	vst v4;
	v61 =	vunpack.i.l.bf16.f32 v13;
	v4 =	vmul.f32 v24, v5  }
0x1c7: {  	[tilespmem:s22+$0xFFFFFF70] =	vst v59;
	v5 =	vunpack.i.l.bf16.f32 v16;
	v6 =	vmul.f32 v25, v61  }
0x1c8: {  	v5 =	vmul.f32 v24, v5;
	[tilespmem:s5+$0xF0] =	vst v4;
	v4 =	vunpack.i.u.bf16.f32 v13  }
0x1c9: {  	[tilespmem:s5+$0xFFFFFFE0] =	vst v6;
	v62 =	vunpack.i.u.bf16.f32 v60;
	v4 =	vmul.f32 v25, v4  }
0x1ca: {  	[tilespmem:s5+$0xE0] =	vst v5;
	v5 =	vunpack.i.l.bf16.f32 v58;
	v6 =	vmul.f32 v9, v62  }
0x1cb: {  	v5 =	vmul.f32 v11, v5;
	[tilespmem:s5+$0xFFFFFFF0] =	vst v4;
	v4 =	vunpack.i.l.bf16.f32 v60  }
0x1cc: {  	v63 =	vunpack.i.u.bf16.f32 v58;
	[tilespmem:s5+$0x70] =	vst v6;
	v4 =	vmul.f32 v9, v4  }
0x1cd: {  	[tilespmem:s5+$0xFFFFFF60] =	vst v5;
	v5 =	vmul.f32 v11, v63  }
0x1ce: {  	[tilespmem:s5+$0x60] =	vst v4  }
0x1cf: {  	[tilespmem:s5+$0xFFFFFF70] =	vst v5  }
0x1d0: {  	v4 =	vld [tilespmem:s13+$0x200];
	_ =	sdelay $0x4  }
0x1d1: {  	[tilespmem:$0x480] =	vst v4  }
0x1d2: {  	v4 =	vld [tilespmem:s13+$0x210];
	_ =	sdelay $0x4  }
0x1d3: {  	[tilespmem:$0x490] =	vst v4  }
0x1d4: {  	v4 =	vld [tilespmem:s13+$0x220];
	_ =	sdelay $0x4  }
0x1d5: {  	[tilespmem:$0x4A0] =	vst v4  }
0x1d6: {  	v4 =	vld [tilespmem:s13+$0x230];
	_ =	sdelay $0x4  }
0x1d7: {  	[tilespmem:$0x4B0] =	vst v4  }
0x1d8: {  	v4 =	vld [tilespmem:s13+$0x240];
	_ =	sdelay $0x4  }
0x1d9: {  	[tilespmem:$0x4C0] =	vst v4  }
0x1da: {  	v4 =	vld [tilespmem:s13+$0x250]  }
0x1db: {  	p1 =	seq.s32 s19, $0x68  }
.Ltmp7:
0x1dc: {  	_ = 	snop;
	(pc) =	sbr.rel @p1 .LBB2_12-.Ltmp7, $3  }
0x1dd: {  	_ =	sdelay $0x1  }
0x1de: {  	[tilespmem:$0x4D0] =	vst v4  }
0x1df: {  	[spmem:s3] =	stream.indirect.scatter.add.f32 [tilespmem:s9], [sflag:$0x4], $0x80, s8, s26, $0xb8;
	[tilespmem:$0x1FDC0] =	vst v63  }
0x1e0: {  	s5 =	sadd.s32 s21, s15  }
0x1e1: {  	s5 =	sshll.u32 s5, $0x6  }
0x1e2: {  	s5 =	sadd.s32 s5, s14  }
0x1e3: {  	[tilespmem:s24], [sflag:$0x6] =	stream.linear.gather [hbm4b:s5+s4], $0x200, $0x38;
	[tilespmem:$0x1FDC0] =	vst v63  }
.Ltmp8:
0x1e4: {  	_ = 	snop;
	(pc) =	sbr.rel .LBB2_2-.Ltmp8, $4  }
0x1e5: {  	_ =	swait.ge [sflag:s11], $0x200  }
0x1e6: {  	[sflag:s11] =	ssyncset.done $0x0  }
0x1e7: {  	s19 =	sadd.s32 $0x1, s19;
	[sflag:s11] =	ssyncadd.s32 $0xFFFFFE00  }
0x1e8: {  	[tilespmem:s29], [sflag:$0x2] =	stream.indirect.gather [spmem:s2], $0x80, s24, s26, $0xb8;
	[tilespmem:$0x1FDC0] =	vst v63  }
.LBB2_13:
0x1e9: {  	_ =	sfence.sel $0x180000  }
0x1ea: {  	[bflag:$0x0] =	sbarrier.arrive $0xFFFF  }
0x1eb: {  	_ =	strace $0x90000047  }
0x1ec: {  	s0 =	stileid.u32;
	[bflag:$0x2] =	sbarrier.arrive $0xFFFF  }
0x1ed: {  	p0 =	sne.s32 s0, $0x0;
	s0 =	rddreg [dreg:$0x4]  }
0x1ee: {  	s0 =	sadd.s32 @!p0 $0x100000, s0  }
0x1ef: {  	[sflag:s0] =	ssyncadd.tile.s32 @!p0 $0x1;
	_ =	shalt  }
.Lfunc_end2:
_tile_overlayer_lowered:
.L_overlay_start_2:
0x1f0: {  	(tag) =	ssettag $0x2  }
0x1f1: {  	s0 =	rddreg [dreg:$0x0];
	s2 =	stileid.u32  }
0x1f2: {  	s1 =	rddreg [dreg:$0x1];
	p0 =	sne.s32 s2, $0x0  }
0x1f3: {  	s3 =	rddreg [dreg:$0x2];
	[bflag:$0x3] =	sbarrier.arrive $0xFFFF;
	s2 =	simm.s32 @!p0 $0x1C07  }
0x1f4: {  	[timem:s3], [sflag:s2] =	dma.local @!p0 [hbm:s0], s1  }
0x1f5: {  	s0 =	simm.s32 @!p0 $0x7  }
0x1f6: {  	_ =	swait.ge @!p0 [sflag:s0], s1  }
0x1f7: {  	s1 =	ssub.s32 @!p0 $0x0, s1;
	[sflag:s0] =	ssyncset.done @!p0 $0x0  }
0x1f8: {  	[sflag:s0] =	ssyncadd.s32 @!p0 s1  }
0x1f9: {  	[bflag:$0x3] =	sbarrier.arrive $0xFFFF  }
0x1fa: {  	_ =	shalt  }

</sc_bundles>
